<compile_context>
chip_gen: v7x
topology: tpu7x:2x2x1
jax: 0.10.2.dev20260603
libtpu: 0.0.44.dev20260713+nightly
codegen_flags: <defaults>
</compile_context>

<pallas_src>
import functools

import jax
import jax.numpy as jnp
from jax import lax
from jax.experimental import pallas as pl
from jax.experimental.pallas import tpu as pltpu
from jax.experimental.pallas import tpu_sc as plsc

EPS = 1e-15
MAX_LOGPROB = 50.0
TOL = 0.001

N_NODES = 10000
N_EDGES = 160000
D_FEAT = 256

NC, NS = 2, 16
E_PAD = 163840
ESC = E_PAD // NC
CH = 4096
NCHS = ESC // CH
DW = D_FEAT // 2
WPT = DW // NS


def _sc_dots_body(zt_hbm, ic_hbm, out_hbm, zt, iba, ibb, pba, pbb,
                  sema, semb, semp):
    cid = lax.axis_index("c")
    sid = lax.axis_index("s")
    zeros16 = jnp.zeros((16,), jnp.float32)

    with jax.named_scope("zstage"):
        pltpu.sync_copy(zt_hbm.at[sid], zt)

    icbase = cid * (NCHS * 2 * CH)
    outbase = cid * ESC

    def start(ch, ib, sem):
        pltpu.async_copy(ic_hbm.at[pl.ds(icbase + ch * 2 * CH, 2 * CH)],
                         ib, sem)

    def drain(ib, sem):
        with jax.named_scope("idxwait"):
            pltpu.make_async_copy(ic_hbm.at[pl.ds(0, 2 * CH)], ib, sem).wait()

    def drain_p(pb):
        with jax.named_scope("pwait"):
            pltpu.make_async_copy(pb, out_hbm.at[sid, pl.ds(0, CH)],
                                  semp).wait()

    def compute(ch, ib, pb):
        with jax.named_scope("groups"):
            @plsc.parallel_loop(0, CH // 16, 1, unroll=2)
            def _group(g):
                goff = g * 16
                n0 = ib[pl.ds(goff, 16)]
                n1 = ib[pl.ds(CH + goff, 16)]
                acc0 = zeros16
                acc1 = zeros16
                for kk in range(WPT):
                    kv = jnp.full((16,), kk, jnp.int32)
                    a = plsc.load_gather(zt, [n0, kv])
                    b = plsc.load_gather(zt, [n1, kv])
                    prod = (plsc.bitcast(a, jnp.bfloat16)
                            * plsc.bitcast(b, jnp.bfloat16))
                    p0, p1 = plsc.unpack(prod,
                                         format=plsc.PackFormat.INTERLEAVED)
                    acc0 = acc0 + p0
                    acc1 = acc1 + p1
                pb[pl.ds(pl.multiple_of(goff, 16), 16)] = acc0 + acc1

        pltpu.async_copy(pb, out_hbm.at[sid, pl.ds(outbase + ch * CH, CH)],
                         semp)

    start(0, iba, sema)

    def pair(c2, carry):
        ch = c2 * 2
        start(ch + 1, ibb, semb)
        drain(iba, sema)

        @pl.when(c2 > 0)
        def _():
            drain_p(pba)

        compute(ch, iba, pba)

        @pl.when(c2 + 1 < NCHS // 2)
        def _():
            start(ch + 2, iba, sema)

        drain(ibb, semb)

        @pl.when(c2 > 0)
        def _():
            drain_p(pbb)

        compute(ch + 1, ibb, pbb)
        return carry

    lax.fori_loop(0, NCHS // 2, pair, 0)
    drain_p(pba)
    drain_p(pbb)


@functools.cache
def _get_sc_dots():
    mesh = plsc.VectorSubcoreMesh(core_axis_name="c", subcore_axis_name="s")
    return pl.kernel(
        _sc_dots_body,
        out_type=jax.ShapeDtypeStruct((NS, E_PAD), jnp.float32),
        mesh=mesh,
        scratch_types=[
            pltpu.VMEM((N_NODES, WPT), jnp.int32),
            pltpu.VMEM((2 * CH,), jnp.int32),
            pltpu.VMEM((2 * CH,), jnp.int32),
            pltpu.VMEM((CH,), jnp.float32),
            pltpu.VMEM((CH,), jnp.float32),
            pltpu.SemaphoreType.DMA,
            pltpu.SemaphoreType.DMA,
            pltpu.SemaphoreType.DMA,
        ],
        compiler_params=pltpu.CompilerParams(
            use_tc_tiling_on_sc=False, needs_layout_passes=False
        ),
    )


def _lgamma(x):
    shift = x * (x + 1.0) * (x + 2.0) * (x + 3.0) * (x + 4.0) * (x + 5.0) \
        * (x + 6.0) * (x + 7.0)
    y = x + 8.0
    yi = 1.0 / y
    y2 = yi * yi
    series = yi * (0.083333333333 + y2 * (-0.002777777778 + y2 * 0.000793650794))
    return (y - 0.5) * jnp.log(y) - y + 0.91893853320467 + series - jnp.log(shift)


def _tc_body(d_ref, i0_ref, i1_ref, x_ref, lp_ref, lg_ref, ln_ref, o_ref):
    e_prec = jnp.exp(lp_ref[0, 0])
    e_gam = jnp.exp(lg_ref[0, 0])
    e_n = jnp.exp(ln_ref[0, 0])
    dfl = jnp.abs(i1_ref[...] - i0_ref[...]).astype(jnp.float32) + 1.0
    diff = jnp.exp(-e_gam * jnp.log(dfl))
    dots = jnp.sum(d_ref[...], axis=0)
    p = 1.0 / (1.0 + jnp.exp(-dots))
    alpha = diff * e_prec + p * e_n + EPS
    beta = (1.0 - diff) * e_prec + (1.0 - p) * e_n + EPS
    x = jnp.clip(x_ref[...], TOL, 1.0 - TOL)
    log_prob = (
        (alpha - 1.0) * jnp.log(x)
        + (beta - 1.0) * jnp.log(1.0 - x)
        - (_lgamma(alpha) + _lgamma(beta) - _lgamma(alpha + beta))
    )
    o_ref[...] = jnp.minimum(-log_prob, MAX_LOGPROB)


_RPAD = E_PAD // 128

_tc_call = pl.pallas_call(
    _tc_body,
    out_shape=jax.ShapeDtypeStruct((_RPAD, 128), jnp.float32),
)


def kernel(z, edge_index, edge_attr, logprecision, loggamma, logN):
    idx0 = edge_index[0]
    idx1 = edge_index[1]
    pad = E_PAD - N_EDGES
    zpad = jnp.zeros((pad,), jnp.int32)
    i0p = jnp.concatenate([idx0, zpad])
    i1p = jnp.concatenate([idx1, zpad])
    ic = jnp.stack([i0p.reshape(NC, NCHS, CH), i1p.reshape(NC, NCHS, CH)],
                   axis=2).reshape(2 * E_PAD)
    xp = jnp.concatenate([edge_attr, jnp.full((pad,), 0.5, jnp.float32)])
    z_packed = lax.bitcast_convert_type(
        z.astype(jnp.bfloat16).reshape(N_NODES, DW, 2), jnp.int32)
    z_tiles = z_packed.reshape(N_NODES, NS, WPT).transpose(1, 0, 2)
    partials = _get_sc_dots()(z_tiles, ic)
    out = _tc_call(
        partials.reshape(NS, _RPAD, 128),
        i0p.reshape(_RPAD, 128),
        i1p.reshape(_RPAD, 128),
        xp.reshape(_RPAD, 128),
        logprecision.reshape(1, 1),
        loggamma.reshape(1, 1),
        logN.reshape(1, 1),
    )
    return out.reshape(E_PAD)[:N_EDGES]

# --- scband reference (transcript-rebuilt; emitter-appended) ---
"""Pipeline reference for scband-beta-prior-decoder-66340064854181 (READ-ONLY COPY).

The authoritative reference and input builder live on the scoring server;
editing this copy changes nothing except your own understanding.
"""

import jax, jax.numpy as jnp
import numpy as np
from jax.scipy.special import gammaln

EPS = 1e-15
MAX_LOGPROB = 50.0
TOL = 0.001

N_NODES = 10000
N_EDGES = 160000
D_FEAT = 256


def setup_inputs(seed: int = 0) -> dict:
    key = jax.random.key(seed)
    k1, k2, k3 = jax.random.split(key, 3)
    # scale z so sigmoid(z_i . z_j) stays away from hard saturation
    z = 0.1 * jax.random.normal(k1, (N_NODES, D_FEAT), dtype=jnp.float32)
    edge_index = jax.random.randint(k2, (2, N_EDGES), 0, N_NODES, dtype=jnp.int32)
    edge_attr = jax.random.uniform(k3, (N_EDGES,), dtype=jnp.float32)
    # learned scalar parameters (Parameter defaults: tensor([1.0]))
    logprecision = jnp.ones((1,), dtype=jnp.float32)
    loggamma = jnp.ones((1,), dtype=jnp.float32)
    logN = jnp.ones((1,), dtype=jnp.float32)
    return {
        "z": z,
        "edge_index": edge_index,
        "edge_attr": edge_attr,
        "logprecision": logprecision,
        "loggamma": loggamma,
        "logN": logN,
    }


def _get_beta_params(z, edge_index, logprecision, loggamma, logN):
    # torch: edge_index.diff(dim=0).abs() + 1  -> shape [1, E]
    diff = jnp.abs(edge_index[1] - edge_index[0]).astype(jnp.float32) + 1.0
    # gather node embeddings per edge and take per-edge dot product
    p = jax.nn.sigmoid(jnp.sum(z[edge_index[0]] * z[edge_index[1]], axis=1))
    diff = jnp.power(diff, -jnp.exp(loggamma))  # broadcast over [1]-shaped param
    prior_alpha = diff * jnp.exp(logprecision)
    prior_beta = (1.0 - diff) * jnp.exp(logprecision)
    posterior_alpha = prior_alpha + p * jnp.exp(logN)
    posterior_beta = prior_beta + (1.0 - p) * jnp.exp(logN)
    return posterior_alpha.squeeze() + EPS, posterior_beta.squeeze() + EPS


def reference(z, edge_index, edge_attr, logprecision, loggamma, logN):
    posterior_alpha, posterior_beta = _get_beta_params(z, edge_index, logprecision, loggamma, logN)
    x = jnp.clip(jnp.squeeze(edge_attr), TOL, 1.0 - TOL)
    # Beta(a, b).log_prob(x) = (a-1)log x + (b-1)log(1-x) - (lgamma(a)+lgamma(b)-lgamma(a+b))
    log_prob = (
        (posterior_alpha - 1.0) * jnp.log(x)
        + (posterior_beta - 1.0) * jnp.log(1.0 - x)
        - (gammaln(posterior_alpha) + gammaln(posterior_beta) - gammaln(posterior_alpha + posterior_beta))
    )
    edge_logprobs = jnp.minimum(-log_prob, MAX_LOGPROB)
    return edge_logprobs

if __name__ == "__main__":
    import jax
    _d = setup_inputs()
    print(jax.jit(kernel)(*tuple(_d.values())))

</pallas_src>

<mosaic_0001>
#map = affine_map<(d0, d1) -> (0, 0, 0)>
#map1 = affine_map<(d0, d1) -> (0)>
#map2 = affine_map<(d0, d1) -> (0, 0)>
module attributes {stable_mosaic.version = 14 : i64} {
  func.func @_sc_dots_body(%arg0: i32, %arg1: i32, %arg2: memref<16x10000x8xi32, #tpu.memory_space<hbm>>, %arg3: memref<327680xi32, #tpu.memory_space<hbm>>, %arg4: memref<16x163840xf32, #tpu.memory_space<hbm>>, %arg5: memref<10000x8xi32, #tpu.memory_space<vmem>>, %arg6: memref<8192xi32, #tpu.memory_space<vmem>>, %arg7: memref<8192xi32, #tpu.memory_space<vmem>>, %arg8: memref<4096xf32, #tpu.memory_space<vmem>>, %arg9: memref<4096xf32, #tpu.memory_space<vmem>>, %arg10: memref<!tpu.dma_semaphore, #tpu.memory_space<semaphore_mem>>, %arg11: memref<!tpu.dma_semaphore, #tpu.memory_space<semaphore_mem>>, %arg12: memref<!tpu.dma_semaphore, #tpu.memory_space<semaphore_mem>>) attributes {dimension_semantics = [#tpu.dimension_semantics<core_parallel>, #tpu.dimension_semantics<subcore_parallel>], iteration_bounds = array<i64: 2, 16>, scalar_prefetch = 0 : i64, scratch_operands = 8 : i64, tpu.core_type = #tpu.core_type<sc_vector_subcore>, window_params = [{transform_indices = #map}, {transform_indices = #map1}, {transform_indices = #map2}]} {
    %broadcast_in_dim3A = arith.constant 0.000000e+00 : f32
    %broadcast_in_dim3A_0 = vector.broadcast %broadcast_in_dim3A : f32 to vector<16xf32>
    "tpu.trace_start"() <{level = 10 : i32, message = "zstage"}> : () -> ()
    "tpu.region"() ({
      %run_scoped3A = tpu.sem_alloc : memref<!tpu.dma_semaphore, #tpu.memory_space<semaphore_mem>>
      %dma_start3A_22 = arith.constant 0 : i32
      %dma_start3A_23 = arith.constant 0 : i32
      %dma_start3A_24 = tpu.memref_slice %arg2[%arg1, %dma_start3A_22, %dma_start3A_23] : memref<16x10000x8xi32, #tpu.memory_space<hbm>> -> memref<1x10000x8xi32, #tpu.memory_space<hbm>>
      %dma_start3A_25 = tpu.memref_squeeze %dma_start3A_24 : memref<1x10000x8xi32, #tpu.memory_space<hbm>> -> memref<10000x8xi32, #tpu.memory_space<hbm>>
      %dma_start3A_26 = arith.constant 0 : i32
      %dma_start3A_27 = arith.constant 0 : i32
      %dma_start3A_28 = tpu.memref_slice %arg2[%arg1, %dma_start3A_26, %dma_start3A_27] : memref<16x10000x8xi32, #tpu.memory_space<hbm>> -> memref<1x10000x8xi32, #tpu.memory_space<hbm>>
      %dma_start3A_29 = tpu.memref_squeeze %dma_start3A_28 : memref<1x10000x8xi32, #tpu.memory_space<hbm>> -> memref<10000x8xi32, #tpu.memory_space<hbm>>
      tpu.enqueue_dma source(%dma_start3A_29 : memref<10000x8xi32, #tpu.memory_space<hbm>>) target(%arg5 : memref<10000x8xi32, #tpu.memory_space<vmem>>) target_semaphore(%run_scoped3A : memref<!tpu.dma_semaphore, #tpu.memory_space<semaphore_mem>>)
      %dma_wait3A_30 = arith.constant 0 : i32
      %dma_wait3A_31 = arith.constant 0 : i32
      %dma_wait3A_32 = tpu.memref_slice %arg2[%arg1, %dma_wait3A_30, %dma_wait3A_31] : memref<16x10000x8xi32, #tpu.memory_space<hbm>> -> memref<1x10000x8xi32, #tpu.memory_space<hbm>>
      %dma_wait3A_33 = tpu.memref_squeeze %dma_wait3A_32 : memref<1x10000x8xi32, #tpu.memory_space<hbm>> -> memref<10000x8xi32, #tpu.memory_space<hbm>>
      %dma_wait3A_34 = arith.constant 0 : i32
      %dma_wait3A_35 = arith.constant 0 : i32
      %dma_wait3A_36 = tpu.memref_slice %arg2[%arg1, %dma_wait3A_34, %dma_wait3A_35] : memref<16x10000x8xi32, #tpu.memory_space<hbm>> -> memref<1x10000x8xi32, #tpu.memory_space<hbm>>
      %dma_wait3A_37 = tpu.memref_squeeze %dma_wait3A_36 : memref<1x10000x8xi32, #tpu.memory_space<hbm>> -> memref<10000x8xi32, #tpu.memory_space<hbm>>
      tpu.wait_dma2 semaphore(%run_scoped3A : memref<!tpu.dma_semaphore, #tpu.memory_space<semaphore_mem>>) src(%dma_wait3A_37 : memref<10000x8xi32, #tpu.memory_space<hbm>>) dst(%arg5 : memref<10000x8xi32, #tpu.memory_space<vmem>>)
      tpu.yield
    }) : () -> ()
    "tpu.trace_stop"() : () -> ()
    %mul3A = arith.constant 163840 : i32
    %mul3A_1 = arith.muli %arg0, %mul3A : i32
    %mul3A_2 = arith.constant 81920 : i32
    %mul3A_3 = arith.muli %arg0, %mul3A_2 : i32
    %add3A = arith.constant 0 : i32
    %add3A_4 = arith.addi %mul3A_1, %add3A : i32
    %dma_start3A = tpu.memref_slice %arg3[%add3A_4] : memref<327680xi32, #tpu.memory_space<hbm>> -> memref<8192xi32, #tpu.memory_space<hbm>>
    %dma_start3A_5 = tpu.memref_slice %arg3[%add3A_4] : memref<327680xi32, #tpu.memory_space<hbm>> -> memref<8192xi32, #tpu.memory_space<hbm>>
    tpu.enqueue_dma source(%dma_start3A_5 : memref<8192xi32, #tpu.memory_space<hbm>>) target(%arg6 : memref<8192xi32, #tpu.memory_space<vmem>>) target_semaphore(%arg10 : memref<!tpu.dma_semaphore, #tpu.memory_space<semaphore_mem>>)
    %scan3A = arith.constant 0 : i32
    %scan3A_6 = arith.constant 0 : i32
    %scan3A_7 = arith.constant 10 : i32
    %scan3A_8 = arith.addi %scan3A_6, %scan3A_7 : i32
    %scan3A_9 = arith.constant 1 : i32
    scf.for %scan3A_22 = %scan3A_6 to %scan3A_8 step %scan3A_9  : i32 {
      %mul3A_23 = arith.constant 2 : i32
      %mul3A_24 = arith.muli %scan3A_22, %mul3A_23 : i32
      %add3A_25 = arith.constant 1 : i32
      %add3A_26 = arith.addi %mul3A_24, %add3A_25 : i32
      %mul3A_27 = arith.constant 2 : i32
      %mul3A_28 = arith.muli %add3A_26, %mul3A_27 : i32
      %mul3A_29 = arith.constant 4096 : i32
      %mul3A_30 = arith.muli %mul3A_28, %mul3A_29 : i32
      %add3A_31 = arith.addi %mul3A_1, %mul3A_30 : i32
      %dma_start3A_32 = tpu.memref_slice %arg3[%add3A_31] : memref<327680xi32, #tpu.memory_space<hbm>> -> memref<8192xi32, #tpu.memory_space<hbm>>
      %dma_start3A_33 = tpu.memref_slice %arg3[%add3A_31] : memref<327680xi32, #tpu.memory_space<hbm>> -> memref<8192xi32, #tpu.memory_space<hbm>>
      tpu.enqueue_dma source(%dma_start3A_33 : memref<8192xi32, #tpu.memory_space<hbm>>) target(%arg7 : memref<8192xi32, #tpu.memory_space<vmem>>) target_semaphore(%arg11 : memref<!tpu.dma_semaphore, #tpu.memory_space<semaphore_mem>>)
      "tpu.trace_start"() <{level = 10 : i32, message = "idxwait"}> : () -> ()
      %dma_wait3A_34 = arith.constant 0 : i32
      %dma_wait3A_35 = tpu.memref_slice %arg3[%dma_wait3A_34] : memref<327680xi32, #tpu.memory_space<hbm>> -> memref<8192xi32, #tpu.memory_space<hbm>>
      %dma_wait3A_36 = arith.constant 0 : i32
      %dma_wait3A_37 = tpu.memref_slice %arg3[%dma_wait3A_36] : memref<327680xi32, #tpu.memory_space<hbm>> -> memref<8192xi32, #tpu.memory_space<hbm>>
      tpu.wait_dma2 semaphore(%arg10 : memref<!tpu.dma_semaphore, #tpu.memory_space<semaphore_mem>>) src(%dma_wait3A_37 : memref<8192xi32, #tpu.memory_space<hbm>>) dst(%arg6 : memref<8192xi32, #tpu.memory_space<vmem>>)
      %gt3A = arith.constant 0 : i32
      "tpu.trace_stop"() : () -> ()
      %gt3A_38 = arith.cmpi sgt, %scan3A_22, %gt3A : i32
      %convert_element_type3A = arith.extui %gt3A_38 : i1 to i32
      %cond3A = arith.constant 0 : i32
      %cond3A_39 = arith.cmpi ne, %convert_element_type3A, %cond3A : i32
      scf.if %cond3A_39 {
        "tpu.trace_start"() <{level = 10 : i32, message = "pwait"}> : () -> ()
        %dma_wait3A_76 = arith.constant 0 : i32
        %dma_wait3A_77 = tpu.memref_slice %arg4[%arg1, %dma_wait3A_76] : memref<16x163840xf32, #tpu.memory_space<hbm>> -> memref<1x4096xf32, #tpu.memory_space<hbm>>
        %dma_wait3A_78 = tpu.memref_squeeze %dma_wait3A_77 : memref<1x4096xf32, #tpu.memory_space<hbm>> -> memref<4096xf32, #tpu.memory_space<hbm>>
        %dma_wait3A_79 = arith.constant 0 : i32
        %dma_wait3A_80 = tpu.memref_slice %arg4[%arg1, %dma_wait3A_79] : memref<16x163840xf32, #tpu.memory_space<hbm>> -> memref<1x4096xf32, #tpu.memory_space<hbm>>
        %dma_wait3A_81 = tpu.memref_squeeze %dma_wait3A_80 : memref<1x4096xf32, #tpu.memory_space<hbm>> -> memref<4096xf32, #tpu.memory_space<hbm>>
        tpu.wait_dma2 semaphore(%arg12 : memref<!tpu.dma_semaphore, #tpu.memory_space<semaphore_mem>>) src(%arg8 : memref<4096xf32, #tpu.memory_space<vmem>>) dst(%dma_wait3A_81 : memref<4096xf32, #tpu.memory_space<hbm>>)
        "tpu.trace_stop"() : () -> ()
      } else {
      }
      %parallel_loop3A = arith.constant 0 : i32
      %parallel_loop3A_40 = arith.constant 256 : i32
      %parallel_loop3A_41 = arith.constant 1 : i32
      "tpu.trace_start"() <{level = 10 : i32, message = "groups"}> : () -> ()
      scf.for %parallel_loop3A_76 = %parallel_loop3A to %parallel_loop3A_40 step %parallel_loop3A_41  : i32 {
        %parallel_loop3A_77 = arith.constant 16 : i32
        %parallel_loop3A_78 = arith.muli %parallel_loop3A_76, %parallel_loop3A_77 : i32
        %parallel_loop3A_79 = arith.index_cast %parallel_loop3A_78 : i32 to index
        %parallel_loop3A_80 = tpu.vector_load %arg6[%parallel_loop3A_79] {strides = array<i32>} : memref<8192xi32, #tpu.memory_space<vmem>>, vector<16xi32>,
        %parallel_loop3A_81 = arith.constant 4096 : i32
        %parallel_loop3A_82 = arith.addi %parallel_loop3A_81, %parallel_loop3A_78 : i32
        %parallel_loop3A_83 = arith.index_cast %parallel_loop3A_82 : i32 to index
        %parallel_loop3A_84 = tpu.vector_load %arg6[%parallel_loop3A_83] {strides = array<i32>} : memref<8192xi32, #tpu.memory_space<vmem>>, vector<16xi32>,
        %parallel_loop3A_85 = arith.constant 0 : i32
        %parallel_loop3A_86 = vector.broadcast %parallel_loop3A_85 : i32 to vector<16xi32>
        %parallel_loop3A_87 = tpu.vector_load_idx %arg5[%parallel_loop3A_80, %parallel_loop3A_86] : memref<10000x8xi32, #tpu.memory_space<vmem>>[vector<16xi32>, vector<16xi32>], vector<16xi32>,
        %parallel_loop3A_88 = tpu.vector_load_idx %arg5[%parallel_loop3A_84, %parallel_loop3A_86] : memref<10000x8xi32, #tpu.memory_space<vmem>>[vector<16xi32>, vector<16xi32>], vector<16xi32>,
        %parallel_loop3A_89 = vector.bitcast %parallel_loop3A_87 : vector<16xi32> to vector<32xbf16>
        %parallel_loop3A_90 = vector.bitcast %parallel_loop3A_88 : vector<16xi32> to vector<32xbf16>
        %parallel_loop3A_91 = arith.mulf %parallel_loop3A_89, %parallel_loop3A_90 : vector<32xbf16>
        %parallel_loop3A_92 = tpu.unpack_subelements %parallel_loop3A_91, 0 {pack_format = #tpu.pack_format<interleaved>} : vector<32xbf16> -> vector<16xf32>
        %parallel_loop3A_93 = tpu.unpack_subelements %parallel_loop3A_91, 1 {pack_format = #tpu.pack_format<interleaved>} : vector<32xbf16> -> vector<16xf32>
        %parallel_loop3A_94 = arith.addf %broadcast_in_dim3A_0, %parallel_loop3A_92 : vector<16xf32>
        %parallel_loop3A_95 = arith.addf %broadcast_in_dim3A_0, %parallel_loop3A_93 : vector<16xf32>
        %parallel_loop3A_96 = arith.constant 1 : i32
        %parallel_loop3A_97 = vector.broadcast %parallel_loop3A_96 : i32 to vector<16xi32>
        %parallel_loop3A_98 = tpu.vector_load_idx %arg5[%parallel_loop3A_80, %parallel_loop3A_97] : memref<10000x8xi32, #tpu.memory_space<vmem>>[vector<16xi32>, vector<16xi32>], vector<16xi32>,
        %parallel_loop3A_99 = tpu.vector_load_idx %arg5[%parallel_loop3A_84, %parallel_loop3A_97] : memref<10000x8xi32, #tpu.memory_space<vmem>>[vector<16xi32>, vector<16xi32>], vector<16xi32>,
        %parallel_loop3A_100 = vector.bitcast %parallel_loop3A_98 : vector<16xi32> to vector<32xbf16>
        %parallel_loop3A_101 = vector.bitcast %parallel_loop3A_99 : vector<16xi32> to vector<32xbf16>
        %parallel_loop3A_102 = arith.mulf %parallel_loop3A_100, %parallel_loop3A_101 : vector<32xbf16>
        %parallel_loop3A_103 = tpu.unpack_subelements %parallel_loop3A_102, 0 {pack_format = #tpu.pack_format<interleaved>} : vector<32xbf16> -> vector<16xf32>
        %parallel_loop3A_104 = tpu.unpack_subelements %parallel_loop3A_102, 1 {pack_format = #tpu.pack_format<interleaved>} : vector<32xbf16> -> vector<16xf32>
        %parallel_loop3A_105 = arith.addf %parallel_loop3A_94, %parallel_loop3A_103 : vector<16xf32>
        %parallel_loop3A_106 = arith.addf %parallel_loop3A_95, %parallel_loop3A_104 : vector<16xf32>
        %parallel_loop3A_107 = arith.constant 2 : i32
        %parallel_loop3A_108 = vector.broadcast %parallel_loop3A_107 : i32 to vector<16xi32>
        %parallel_loop3A_109 = tpu.vector_load_idx %arg5[%parallel_loop3A_80, %parallel_loop3A_108] : memref<10000x8xi32, #tpu.memory_space<vmem>>[vector<16xi32>, vector<16xi32>], vector<16xi32>,
        %parallel_loop3A_110 = tpu.vector_load_idx %arg5[%parallel_loop3A_84, %parallel_loop3A_108] : memref<10000x8xi32, #tpu.memory_space<vmem>>[vector<16xi32>, vector<16xi32>], vector<16xi32>,
        %parallel_loop3A_111 = vector.bitcast %parallel_loop3A_109 : vector<16xi32> to vector<32xbf16>
        %parallel_loop3A_112 = vector.bitcast %parallel_loop3A_110 : vector<16xi32> to vector<32xbf16>
        %parallel_loop3A_113 = arith.mulf %parallel_loop3A_111, %parallel_loop3A_112 : vector<32xbf16>
        %parallel_loop3A_114 = tpu.unpack_subelements %parallel_loop3A_113, 0 {pack_format = #tpu.pack_format<interleaved>} : vector<32xbf16> -> vector<16xf32>
        %parallel_loop3A_115 = tpu.unpack_subelements %parallel_loop3A_113, 1 {pack_format = #tpu.pack_format<interleaved>} : vector<32xbf16> -> vector<16xf32>
        %parallel_loop3A_116 = arith.addf %parallel_loop3A_105, %parallel_loop3A_114 : vector<16xf32>
        %parallel_loop3A_117 = arith.addf %parallel_loop3A_106, %parallel_loop3A_115 : vector<16xf32>
        %parallel_loop3A_118 = arith.constant 3 : i32
        %parallel_loop3A_119 = vector.broadcast %parallel_loop3A_118 : i32 to vector<16xi32>
        %parallel_loop3A_120 = tpu.vector_load_idx %arg5[%parallel_loop3A_80, %parallel_loop3A_119] : memref<10000x8xi32, #tpu.memory_space<vmem>>[vector<16xi32>, vector<16xi32>], vector<16xi32>,
        %parallel_loop3A_121 = tpu.vector_load_idx %arg5[%parallel_loop3A_84, %parallel_loop3A_119] : memref<10000x8xi32, #tpu.memory_space<vmem>>[vector<16xi32>, vector<16xi32>], vector<16xi32>,
        %parallel_loop3A_122 = vector.bitcast %parallel_loop3A_120 : vector<16xi32> to vector<32xbf16>
        %parallel_loop3A_123 = vector.bitcast %parallel_loop3A_121 : vector<16xi32> to vector<32xbf16>
        %parallel_loop3A_124 = arith.mulf %parallel_loop3A_122, %parallel_loop3A_123 : vector<32xbf16>
        %parallel_loop3A_125 = tpu.unpack_subelements %parallel_loop3A_124, 0 {pack_format = #tpu.pack_format<interleaved>} : vector<32xbf16> -> vector<16xf32>
        %parallel_loop3A_126 = tpu.unpack_subelements %parallel_loop3A_124, 1 {pack_format = #tpu.pack_format<interleaved>} : vector<32xbf16> -> vector<16xf32>
        %parallel_loop3A_127 = arith.addf %parallel_loop3A_116, %parallel_loop3A_125 : vector<16xf32>
        %parallel_loop3A_128 = arith.addf %parallel_loop3A_117, %parallel_loop3A_126 : vector<16xf32>
        %parallel_loop3A_129 = arith.constant 4 : i32
        %parallel_loop3A_130 = vector.broadcast %parallel_loop3A_129 : i32 to vector<16xi32>
        %parallel_loop3A_131 = tpu.vector_load_idx %arg5[%parallel_loop3A_80, %parallel_loop3A_130] : memref<10000x8xi32, #tpu.memory_space<vmem>>[vector<16xi32>, vector<16xi32>], vector<16xi32>,
        %parallel_loop3A_132 = tpu.vector_load_idx %arg5[%parallel_loop3A_84, %parallel_loop3A_130] : memref<10000x8xi32, #tpu.memory_space<vmem>>[vector<16xi32>, vector<16xi32>], vector<16xi32>,
        %parallel_loop3A_133 = vector.bitcast %parallel_loop3A_131 : vector<16xi32> to vector<32xbf16>
        %parallel_loop3A_134 = vector.bitcast %parallel_loop3A_132 : vector<16xi32> to vector<32xbf16>
        %parallel_loop3A_135 = arith.mulf %parallel_loop3A_133, %parallel_loop3A_134 : vector<32xbf16>
        %parallel_loop3A_136 = tpu.unpack_subelements %parallel_loop3A_135, 0 {pack_format = #tpu.pack_format<interleaved>} : vector<32xbf16> -> vector<16xf32>
        %parallel_loop3A_137 = tpu.unpack_subelements %parallel_loop3A_135, 1 {pack_format = #tpu.pack_format<interleaved>} : vector<32xbf16> -> vector<16xf32>
        %parallel_loop3A_138 = arith.addf %parallel_loop3A_127, %parallel_loop3A_136 : vector<16xf32>
        %parallel_loop3A_139 = arith.addf %parallel_loop3A_128, %parallel_loop3A_137 : vector<16xf32>
        %parallel_loop3A_140 = arith.constant 5 : i32
        %parallel_loop3A_141 = vector.broadcast %parallel_loop3A_140 : i32 to vector<16xi32>
        %parallel_loop3A_142 = tpu.vector_load_idx %arg5[%parallel_loop3A_80, %parallel_loop3A_141] : memref<10000x8xi32, #tpu.memory_space<vmem>>[vector<16xi32>, vector<16xi32>], vector<16xi32>,
        %parallel_loop3A_143 = tpu.vector_load_idx %arg5[%parallel_loop3A_84, %parallel_loop3A_141] : memref<10000x8xi32, #tpu.memory_space<vmem>>[vector<16xi32>, vector<16xi32>], vector<16xi32>,
        %parallel_loop3A_144 = vector.bitcast %parallel_loop3A_142 : vector<16xi32> to vector<32xbf16>
        %parallel_loop3A_145 = vector.bitcast %parallel_loop3A_143 : vector<16xi32> to vector<32xbf16>
        %parallel_loop3A_146 = arith.mulf %parallel_loop3A_144, %parallel_loop3A_145 : vector<32xbf16>
        %parallel_loop3A_147 = tpu.unpack_subelements %parallel_loop3A_146, 0 {pack_format = #tpu.pack_format<interleaved>} : vector<32xbf16> -> vector<16xf32>
        %parallel_loop3A_148 = tpu.unpack_subelements %parallel_loop3A_146, 1 {pack_format = #tpu.pack_format<interleaved>} : vector<32xbf16> -> vector<16xf32>
        %parallel_loop3A_149 = arith.addf %parallel_loop3A_138, %parallel_loop3A_147 : vector<16xf32>
        %parallel_loop3A_150 = arith.addf %parallel_loop3A_139, %parallel_loop3A_148 : vector<16xf32>
        %parallel_loop3A_151 = arith.constant 6 : i32
        %parallel_loop3A_152 = vector.broadcast %parallel_loop3A_151 : i32 to vector<16xi32>
        %parallel_loop3A_153 = tpu.vector_load_idx %arg5[%parallel_loop3A_80, %parallel_loop3A_152] : memref<10000x8xi32, #tpu.memory_space<vmem>>[vector<16xi32>, vector<16xi32>], vector<16xi32>,
        %parallel_loop3A_154 = tpu.vector_load_idx %arg5[%parallel_loop3A_84, %parallel_loop3A_152] : memref<10000x8xi32, #tpu.memory_space<vmem>>[vector<16xi32>, vector<16xi32>], vector<16xi32>,
        %parallel_loop3A_155 = vector.bitcast %parallel_loop3A_153 : vector<16xi32> to vector<32xbf16>
        %parallel_loop3A_156 = vector.bitcast %parallel_loop3A_154 : vector<16xi32> to vector<32xbf16>
        %parallel_loop3A_157 = arith.mulf %parallel_loop3A_155, %parallel_loop3A_156 : vector<32xbf16>
        %parallel_loop3A_158 = tpu.unpack_subelements %parallel_loop3A_157, 0 {pack_format = #tpu.pack_format<interleaved>} : vector<32xbf16> -> vector<16xf32>
        %parallel_loop3A_159 = tpu.unpack_subelements %parallel_loop3A_157, 1 {pack_format = #tpu.pack_format<interleaved>} : vector<32xbf16> -> vector<16xf32>
        %parallel_loop3A_160 = arith.addf %parallel_loop3A_149, %parallel_loop3A_158 : vector<16xf32>
        %parallel_loop3A_161 = arith.addf %parallel_loop3A_150, %parallel_loop3A_159 : vector<16xf32>
        %parallel_loop3A_162 = arith.constant 7 : i32
        %parallel_loop3A_163 = vector.broadcast %parallel_loop3A_162 : i32 to vector<16xi32>
        %parallel_loop3A_164 = tpu.vector_load_idx %arg5[%parallel_loop3A_80, %parallel_loop3A_163] : memref<10000x8xi32, #tpu.memory_space<vmem>>[vector<16xi32>, vector<16xi32>], vector<16xi32>,
        %parallel_loop3A_165 = tpu.vector_load_idx %arg5[%parallel_loop3A_84, %parallel_loop3A_163] : memref<10000x8xi32, #tpu.memory_space<vmem>>[vector<16xi32>, vector<16xi32>], vector<16xi32>,
        %parallel_loop3A_166 = vector.bitcast %parallel_loop3A_164 : vector<16xi32> to vector<32xbf16>
        %parallel_loop3A_167 = vector.bitcast %parallel_loop3A_165 : vector<16xi32> to vector<32xbf16>
        %parallel_loop3A_168 = arith.mulf %parallel_loop3A_166, %parallel_loop3A_167 : vector<32xbf16>
        %parallel_loop3A_169 = tpu.unpack_subelements %parallel_loop3A_168, 0 {pack_format = #tpu.pack_format<interleaved>} : vector<32xbf16> -> vector<16xf32>
        %parallel_loop3A_170 = tpu.unpack_subelements %parallel_loop3A_168, 1 {pack_format = #tpu.pack_format<interleaved>} : vector<32xbf16> -> vector<16xf32>
        %parallel_loop3A_171 = arith.addf %parallel_loop3A_160, %parallel_loop3A_169 : vector<16xf32>
        %parallel_loop3A_172 = arith.addf %parallel_loop3A_161, %parallel_loop3A_170 : vector<16xf32>
        %parallel_loop3A_173 = arith.addf %parallel_loop3A_171, %parallel_loop3A_172 : vector<16xf32>
        %parallel_loop3A_174 = tpu.assume_multiple %parallel_loop3A_78, 16 : i32
        %parallel_loop3A_175 = arith.index_cast %parallel_loop3A_174 : i32 to index
        %parallel_loop3A_176 = tpu.vector_load %arg8[%parallel_loop3A_175] {strides = array<i32>} : memref<4096xf32, #tpu.memory_space<vmem>>, vector<16xf32>,
        tpu.vector_store %arg8[%parallel_loop3A_175], %parallel_loop3A_173 {strides = array<i32>} : memref<4096xf32, #tpu.memory_space<vmem>>, vector<16xf32>,
      } {sc.loop_unroll_factor = 2 : i64, sc.parallel_access}
      "tpu.trace_stop"() : () -> ()
      %mul3A_42 = arith.constant 4096 : i32
      %mul3A_43 = arith.muli %mul3A_24, %mul3A_42 : i32
      %add3A_44 = arith.addi %mul3A_3, %mul3A_43 : i32
      %dma_start3A_45 = tpu.memref_slice %arg4[%arg1, %add3A_44] : memref<16x163840xf32, #tpu.memory_space<hbm>> -> memref<1x4096xf32, #tpu.memory_space<hbm>>
      %dma_start3A_46 = tpu.memref_squeeze %dma_start3A_45 : memref<1x4096xf32, #tpu.memory_space<hbm>> -> memref<4096xf32, #tpu.memory_space<hbm>>
      %dma_start3A_47 = tpu.memref_slice %arg4[%arg1, %add3A_44] : memref<16x163840xf32, #tpu.memory_space<hbm>> -> memref<1x4096xf32, #tpu.memory_space<hbm>>
      %dma_start3A_48 = tpu.memref_squeeze %dma_start3A_47 : memref<1x4096xf32, #tpu.memory_space<hbm>> -> memref<4096xf32, #tpu.memory_space<hbm>>
      tpu.enqueue_dma source(%arg8 : memref<4096xf32, #tpu.memory_space<vmem>>) target(%dma_start3A_48 : memref<4096xf32, #tpu.memory_space<hbm>>) target_semaphore(%arg12 : memref<!tpu.dma_semaphore, #tpu.memory_space<semaphore_mem>>)
      %add3A_49 = arith.constant 1 : i32
      %add3A_50 = arith.addi %scan3A_22, %add3A_49 : i32
      %lt3A = arith.constant 10 : i32
      %lt3A_51 = arith.cmpi slt, %add3A_50, %lt3A : i32
      %convert_element_type3A_52 = arith.extui %lt3A_51 : i1 to i32
      %cond3A_53 = arith.constant 0 : i32
      %cond3A_54 = arith.cmpi ne, %convert_element_type3A_52, %cond3A_53 : i32
      scf.if %cond3A_54 {
        %add3A_76 = arith.constant 2 : i32
        %add3A_77 = arith.addi %mul3A_24, %add3A_76 : i32
        %mul3A_78 = arith.constant 2 : i32
        %mul3A_79 = arith.muli %add3A_77, %mul3A_78 : i32
        %mul3A_80 = arith.constant 4096 : i32
        %mul3A_81 = arith.muli %mul3A_79, %mul3A_80 : i32
        %add3A_82 = arith.addi %mul3A_1, %mul3A_81 : i32
        %dma_start3A_83 = tpu.memref_slice %arg3[%add3A_82] : memref<327680xi32, #tpu.memory_space<hbm>> -> memref<8192xi32, #tpu.memory_space<hbm>>
        %dma_start3A_84 = tpu.memref_slice %arg3[%add3A_82] : memref<327680xi32, #tpu.memory_space<hbm>> -> memref<8192xi32, #tpu.memory_space<hbm>>
        tpu.enqueue_dma source(%dma_start3A_84 : memref<8192xi32, #tpu.memory_space<hbm>>) target(%arg6 : memref<8192xi32, #tpu.memory_space<vmem>>) target_semaphore(%arg10 : memref<!tpu.dma_semaphore, #tpu.memory_space<semaphore_mem>>)
      } else {
      }
      "tpu.trace_start"() <{level = 10 : i32, message = "idxwait"}> : () -> ()
      %dma_wait3A_55 = arith.constant 0 : i32
      %dma_wait3A_56 = tpu.memref_slice %arg3[%dma_wait3A_55] : memref<327680xi32, #tpu.memory_space<hbm>> -> memref<8192xi32, #tpu.memory_space<hbm>>
      %dma_wait3A_57 = arith.constant 0 : i32
      %dma_wait3A_58 = tpu.memref_slice %arg3[%dma_wait3A_57] : memref<327680xi32, #tpu.memory_space<hbm>> -> memref<8192xi32, #tpu.memory_space<hbm>>
      tpu.wait_dma2 semaphore(%arg11 : memref<!tpu.dma_semaphore, #tpu.memory_space<semaphore_mem>>) src(%dma_wait3A_58 : memref<8192xi32, #tpu.memory_space<hbm>>) dst(%arg7 : memref<8192xi32, #tpu.memory_space<vmem>>)
      %gt3A_59 = arith.constant 0 : i32
      "tpu.trace_stop"() : () -> ()
      %gt3A_60 = arith.cmpi sgt, %scan3A_22, %gt3A_59 : i32
      %convert_element_type3A_61 = arith.extui %gt3A_60 : i1 to i32
      %cond3A_62 = arith.constant 0 : i32
      %cond3A_63 = arith.cmpi ne, %convert_element_type3A_61, %cond3A_62 : i32
      scf.if %cond3A_63 {
        "tpu.trace_start"() <{level = 10 : i32, message = "pwait"}> : () -> ()
        %dma_wait3A_76 = arith.constant 0 : i32
        %dma_wait3A_77 = tpu.memref_slice %arg4[%arg1, %dma_wait3A_76] : memref<16x163840xf32, #tpu.memory_space<hbm>> -> memref<1x4096xf32, #tpu.memory_space<hbm>>
        %dma_wait3A_78 = tpu.memref_squeeze %dma_wait3A_77 : memref<1x4096xf32, #tpu.memory_space<hbm>> -> memref<4096xf32, #tpu.memory_space<hbm>>
        %dma_wait3A_79 = arith.constant 0 : i32
        %dma_wait3A_80 = tpu.memref_slice %arg4[%arg1, %dma_wait3A_79] : memref<16x163840xf32, #tpu.memory_space<hbm>> -> memref<1x4096xf32, #tpu.memory_space<hbm>>
        %dma_wait3A_81 = tpu.memref_squeeze %dma_wait3A_80 : memref<1x4096xf32, #tpu.memory_space<hbm>> -> memref<4096xf32, #tpu.memory_space<hbm>>
        tpu.wait_dma2 semaphore(%arg12 : memref<!tpu.dma_semaphore, #tpu.memory_space<semaphore_mem>>) src(%arg9 : memref<4096xf32, #tpu.memory_space<vmem>>) dst(%dma_wait3A_81 : memref<4096xf32, #tpu.memory_space<hbm>>)
        "tpu.trace_stop"() : () -> ()
      } else {
      }
      %add3A_64 = arith.constant 1 : i32
      %add3A_65 = arith.addi %mul3A_24, %add3A_64 : i32
      %parallel_loop3A_66 = arith.constant 0 : i32
      %parallel_loop3A_67 = arith.constant 256 : i32
      %parallel_loop3A_68 = arith.constant 1 : i32
      "tpu.trace_start"() <{level = 10 : i32, message = "groups"}> : () -> ()
      scf.for %parallel_loop3A_76 = %parallel_loop3A_66 to %parallel_loop3A_67 step %parallel_loop3A_68  : i32 {
        %parallel_loop3A_77 = arith.constant 16 : i32
        %parallel_loop3A_78 = arith.muli %parallel_loop3A_76, %parallel_loop3A_77 : i32
        %parallel_loop3A_79 = arith.index_cast %parallel_loop3A_78 : i32 to index
        %parallel_loop3A_80 = tpu.vector_load %arg7[%parallel_loop3A_79] {strides = array<i32>} : memref<8192xi32, #tpu.memory_space<vmem>>, vector<16xi32>,
        %parallel_loop3A_81 = arith.constant 4096 : i32
        %parallel_loop3A_82 = arith.addi %parallel_loop3A_81, %parallel_loop3A_78 : i32
        %parallel_loop3A_83 = arith.index_cast %parallel_loop3A_82 : i32 to index
        %parallel_loop3A_84 = tpu.vector_load %arg7[%parallel_loop3A_83] {strides = array<i32>} : memref<8192xi32, #tpu.memory_space<vmem>>, vector<16xi32>,
        %parallel_loop3A_85 = arith.constant 0 : i32
        %parallel_loop3A_86 = vector.broadcast %parallel_loop3A_85 : i32 to vector<16xi32>
        %parallel_loop3A_87 = tpu.vector_load_idx %arg5[%parallel_loop3A_80, %parallel_loop3A_86] : memref<10000x8xi32, #tpu.memory_space<vmem>>[vector<16xi32>, vector<16xi32>], vector<16xi32>,
        %parallel_loop3A_88 = tpu.vector_load_idx %arg5[%parallel_loop3A_84, %parallel_loop3A_86] : memref<10000x8xi32, #tpu.memory_space<vmem>>[vector<16xi32>, vector<16xi32>], vector<16xi32>,
        %parallel_loop3A_89 = vector.bitcast %parallel_loop3A_87 : vector<16xi32> to vector<32xbf16>
        %parallel_loop3A_90 = vector.bitcast %parallel_loop3A_88 : vector<16xi32> to vector<32xbf16>
        %parallel_loop3A_91 = arith.mulf %parallel_loop3A_89, %parallel_loop3A_90 : vector<32xbf16>
        %parallel_loop3A_92 = tpu.unpack_subelements %parallel_loop3A_91, 0 {pack_format = #tpu.pack_format<interleaved>} : vector<32xbf16> -> vector<16xf32>
        %parallel_loop3A_93 = tpu.unpack_subelements %parallel_loop3A_91, 1 {pack_format = #tpu.pack_format<interleaved>} : vector<32xbf16> -> vector<16xf32>
        %parallel_loop3A_94 = arith.addf %broadcast_in_dim3A_0, %parallel_loop3A_92 : vector<16xf32>
        %parallel_loop3A_95 = arith.addf %broadcast_in_dim3A_0, %parallel_loop3A_93 : vector<16xf32>
        %parallel_loop3A_96 = arith.constant 1 : i32
        %parallel_loop3A_97 = vector.broadcast %parallel_loop3A_96 : i32 to vector<16xi32>
        %parallel_loop3A_98 = tpu.vector_load_idx %arg5[%parallel_loop3A_80, %parallel_loop3A_97] : memref<10000x8xi32, #tpu.memory_space<vmem>>[vector<16xi32>, vector<16xi32>], vector<16xi32>,
        %parallel_loop3A_99 = tpu.vector_load_idx %arg5[%parallel_loop3A_84, %parallel_loop3A_97] : memref<10000x8xi32, #tpu.memory_space<vmem>>[vector<16xi32>, vector<16xi32>], vector<16xi32>,
        %parallel_loop3A_100 = vector.bitcast %parallel_loop3A_98 : vector<16xi32> to vector<32xbf16>
        %parallel_loop3A_101 = vector.bitcast %parallel_loop3A_99 : vector<16xi32> to vector<32xbf16>
        %parallel_loop3A_102 = arith.mulf %parallel_loop3A_100, %parallel_loop3A_101 : vector<32xbf16>
        %parallel_loop3A_103 = tpu.unpack_subelements %parallel_loop3A_102, 0 {pack_format = #tpu.pack_format<interleaved>} : vector<32xbf16> -> vector<16xf32>
        %parallel_loop3A_104 = tpu.unpack_subelements %parallel_loop3A_102, 1 {pack_format = #tpu.pack_format<interleaved>} : vector<32xbf16> -> vector<16xf32>
        %parallel_loop3A_105 = arith.addf %parallel_loop3A_94, %parallel_loop3A_103 : vector<16xf32>
        %parallel_loop3A_106 = arith.addf %parallel_loop3A_95, %parallel_loop3A_104 : vector<16xf32>
        %parallel_loop3A_107 = arith.constant 2 : i32
        %parallel_loop3A_108 = vector.broadcast %parallel_loop3A_107 : i32 to vector<16xi32>
        %parallel_loop3A_109 = tpu.vector_load_idx %arg5[%parallel_loop3A_80, %parallel_loop3A_108] : memref<10000x8xi32, #tpu.memory_space<vmem>>[vector<16xi32>, vector<16xi32>], vector<16xi32>,
        %parallel_loop3A_110 = tpu.vector_load_idx %arg5[%parallel_loop3A_84, %parallel_loop3A_108] : memref<10000x8xi32, #tpu.memory_space<vmem>>[vector<16xi32>, vector<16xi32>], vector<16xi32>,
        %parallel_loop3A_111 = vector.bitcast %parallel_loop3A_109 : vector<16xi32> to vector<32xbf16>
        %parallel_loop3A_112 = vector.bitcast %parallel_loop3A_110 : vector<16xi32> to vector<32xbf16>
        %parallel_loop3A_113 = arith.mulf %parallel_loop3A_111, %parallel_loop3A_112 : vector<32xbf16>
        %parallel_loop3A_114 = tpu.unpack_subelements %parallel_loop3A_113, 0 {pack_format = #tpu.pack_format<interleaved>} : vector<32xbf16> -> vector<16xf32>
        %parallel_loop3A_115 = tpu.unpack_subelements %parallel_loop3A_113, 1 {pack_format = #tpu.pack_format<interleaved>} : vector<32xbf16> -> vector<16xf32>
        %parallel_loop3A_116 = arith.addf %parallel_loop3A_105, %parallel_loop3A_114 : vector<16xf32>
        %parallel_loop3A_117 = arith.addf %parallel_loop3A_106, %parallel_loop3A_115 : vector<16xf32>
        %parallel_loop3A_118 = arith.constant 3 : i32
        %parallel_loop3A_119 = vector.broadcast %parallel_loop3A_118 : i32 to vector<16xi32>
        %parallel_loop3A_120 = tpu.vector_load_idx %arg5[%parallel_loop3A_80, %parallel_loop3A_119] : memref<10000x8xi32, #tpu.memory_space<vmem>>[vector<16xi32>, vector<16xi32>], vector<16xi32>,
        %parallel_loop3A_121 = tpu.vector_load_idx %arg5[%parallel_loop3A_84, %parallel_loop3A_119] : memref<10000x8xi32, #tpu.memory_space<vmem>>[vector<16xi32>, vector<16xi32>], vector<16xi32>,
        %parallel_loop3A_122 = vector.bitcast %parallel_loop3A_120 : vector<16xi32> to vector<32xbf16>
        %parallel_loop3A_123 = vector.bitcast %parallel_loop3A_121 : vector<16xi32> to vector<32xbf16>
        %parallel_loop3A_124 = arith.mulf %parallel_loop3A_122, %parallel_loop3A_123 : vector<32xbf16>
        %parallel_loop3A_125 = tpu.unpack_subelements %parallel_loop3A_124, 0 {pack_format = #tpu.pack_format<interleaved>} : vector<32xbf16> -> vector<16xf32>
        %parallel_loop3A_126 = tpu.unpack_subelements %parallel_loop3A_124, 1 {pack_format = #tpu.pack_format<interleaved>} : vector<32xbf16> -> vector<16xf32>
        %parallel_loop3A_127 = arith.addf %parallel_loop3A_116, %parallel_loop3A_125 : vector<16xf32>
        %parallel_loop3A_128 = arith.addf %parallel_loop3A_117, %parallel_loop3A_126 : vector<16xf32>
        %parallel_loop3A_129 = arith.constant 4 : i32
        %parallel_loop3A_130 = vector.broadcast %parallel_loop3A_129 : i32 to vector<16xi32>
        %parallel_loop3A_131 = tpu.vector_load_idx %arg5[%parallel_loop3A_80, %parallel_loop3A_130] : memref<10000x8xi32, #tpu.memory_space<vmem>>[vector<16xi32>, vector<16xi32>], vector<16xi32>,
        %parallel_loop3A_132 = tpu.vector_load_idx %arg5[%parallel_loop3A_84, %parallel_loop3A_130] : memref<10000x8xi32, #tpu.memory_space<vmem>>[vector<16xi32>, vector<16xi32>], vector<16xi32>,
        %parallel_loop3A_133 = vector.bitcast %parallel_loop3A_131 : vector<16xi32> to vector<32xbf16>
        %parallel_loop3A_134 = vector.bitcast %parallel_loop3A_132 : vector<16xi32> to vector<32xbf16>
        %parallel_loop3A_135 = arith.mulf %parallel_loop3A_133, %parallel_loop3A_134 : vector<32xbf16>
        %parallel_loop3A_136 = tpu.unpack_subelements %parallel_loop3A_135, 0 {pack_format = #tpu.pack_format<interleaved>} : vector<32xbf16> -> vector<16xf32>
        %parallel_loop3A_137 = tpu.unpack_subelements %parallel_loop3A_135, 1 {pack_format = #tpu.pack_format<interleaved>} : vector<32xbf16> -> vector<16xf32>
        %parallel_loop3A_138 = arith.addf %parallel_loop3A_127, %parallel_loop3A_136 : vector<16xf32>
        %parallel_loop3A_139 = arith.addf %parallel_loop3A_128, %parallel_loop3A_137 : vector<16xf32>
        %parallel_loop3A_140 = arith.constant 5 : i32
        %parallel_loop3A_141 = vector.broadcast %parallel_loop3A_140 : i32 to vector<16xi32>
        %parallel_loop3A_142 = tpu.vector_load_idx %arg5[%parallel_loop3A_80, %parallel_loop3A_141] : memref<10000x8xi32, #tpu.memory_space<vmem>>[vector<16xi32>, vector<16xi32>], vector<16xi32>,
        %parallel_loop3A_143 = tpu.vector_load_idx %arg5[%parallel_loop3A_84, %parallel_loop3A_141] : memref<10000x8xi32, #tpu.memory_space<vmem>>[vector<16xi32>, vector<16xi32>], vector<16xi32>,
        %parallel_loop3A_144 = vector.bitcast %parallel_loop3A_142 : vector<16xi32> to vector<32xbf16>
        %parallel_loop3A_145 = vector.bitcast %parallel_loop3A_143 : vector<16xi32> to vector<32xbf16>
        %parallel_loop3A_146 = arith.mulf %parallel_loop3A_144, %parallel_loop3A_145 : vector<32xbf16>
        %parallel_loop3A_147 = tpu.unpack_subelements %parallel_loop3A_146, 0 {pack_format = #tpu.pack_format<interleaved>} : vector<32xbf16> -> vector<16xf32>
        %parallel_loop3A_148 = tpu.unpack_subelements %parallel_loop3A_146, 1 {pack_format = #tpu.pack_format<interleaved>} : vector<32xbf16> -> vector<16xf32>
        %parallel_loop3A_149 = arith.addf %parallel_loop3A_138, %parallel_loop3A_147 : vector<16xf32>
        %parallel_loop3A_150 = arith.addf %parallel_loop3A_139, %parallel_loop3A_148 : vector<16xf32>
        %parallel_loop3A_151 = arith.constant 6 : i32
        %parallel_loop3A_152 = vector.broadcast %parallel_loop3A_151 : i32 to vector<16xi32>
        %parallel_loop3A_153 = tpu.vector_load_idx %arg5[%parallel_loop3A_80, %parallel_loop3A_152] : memref<10000x8xi32, #tpu.memory_space<vmem>>[vector<16xi32>, vector<16xi32>], vector<16xi32>,
        %parallel_loop3A_154 = tpu.vector_load_idx %arg5[%parallel_loop3A_84, %parallel_loop3A_152] : memref<10000x8xi32, #tpu.memory_space<vmem>>[vector<16xi32>, vector<16xi32>], vector<16xi32>,
        %parallel_loop3A_155 = vector.bitcast %parallel_loop3A_153 : vector<16xi32> to vector<32xbf16>
        %parallel_loop3A_156 = vector.bitcast %parallel_loop3A_154 : vector<16xi32> to vector<32xbf16>
        %parallel_loop3A_157 = arith.mulf %parallel_loop3A_155, %parallel_loop3A_156 : vector<32xbf16>
        %parallel_loop3A_158 = tpu.unpack_subelements %parallel_loop3A_157, 0 {pack_format = #tpu.pack_format<interleaved>} : vector<32xbf16> -> vector<16xf32>
        %parallel_loop3A_159 = tpu.unpack_subelements %parallel_loop3A_157, 1 {pack_format = #tpu.pack_format<interleaved>} : vector<32xbf16> -> vector<16xf32>
        %parallel_loop3A_160 = arith.addf %parallel_loop3A_149, %parallel_loop3A_158 : vector<16xf32>
        %parallel_loop3A_161 = arith.addf %parallel_loop3A_150, %parallel_loop3A_159 : vector<16xf32>
        %parallel_loop3A_162 = arith.constant 7 : i32
        %parallel_loop3A_163 = vector.broadcast %parallel_loop3A_162 : i32 to vector<16xi32>
        %parallel_loop3A_164 = tpu.vector_load_idx %arg5[%parallel_loop3A_80, %parallel_loop3A_163] : memref<10000x8xi32, #tpu.memory_space<vmem>>[vector<16xi32>, vector<16xi32>], vector<16xi32>,
        %parallel_loop3A_165 = tpu.vector_load_idx %arg5[%parallel_loop3A_84, %parallel_loop3A_163] : memref<10000x8xi32, #tpu.memory_space<vmem>>[vector<16xi32>, vector<16xi32>], vector<16xi32>,
        %parallel_loop3A_166 = vector.bitcast %parallel_loop3A_164 : vector<16xi32> to vector<32xbf16>
        %parallel_loop3A_167 = vector.bitcast %parallel_loop3A_165 : vector<16xi32> to vector<32xbf16>
        %parallel_loop3A_168 = arith.mulf %parallel_loop3A_166, %parallel_loop3A_167 : vector<32xbf16>
        %parallel_loop3A_169 = tpu.unpack_subelements %parallel_loop3A_168, 0 {pack_format = #tpu.pack_format<interleaved>} : vector<32xbf16> -> vector<16xf32>
        %parallel_loop3A_170 = tpu.unpack_subelements %parallel_loop3A_168, 1 {pack_format = #tpu.pack_format<interleaved>} : vector<32xbf16> -> vector<16xf32>
        %parallel_loop3A_171 = arith.addf %parallel_loop3A_160, %parallel_loop3A_169 : vector<16xf32>
        %parallel_loop3A_172 = arith.addf %parallel_loop3A_161, %parallel_loop3A_170 : vector<16xf32>
        %parallel_loop3A_173 = arith.addf %parallel_loop3A_171, %parallel_loop3A_172 : vector<16xf32>
        %parallel_loop3A_174 = tpu.assume_multiple %parallel_loop3A_78, 16 : i32
        %parallel_loop3A_175 = arith.index_cast %parallel_loop3A_174 : i32 to index
        %parallel_loop3A_176 = tpu.vector_load %arg9[%parallel_loop3A_175] {strides = array<i32>} : memref<4096xf32, #tpu.memory_space<vmem>>, vector<16xf32>,
        tpu.vector_store %arg9[%parallel_loop3A_175], %parallel_loop3A_173 {strides = array<i32>} : memref<4096xf32, #tpu.memory_space<vmem>>, vector<16xf32>,
      } {sc.loop_unroll_factor = 2 : i64, sc.parallel_access}
      "tpu.trace_stop"() : () -> ()
      %mul3A_69 = arith.constant 4096 : i32
      %mul3A_70 = arith.muli %add3A_65, %mul3A_69 : i32
      %add3A_71 = arith.addi %mul3A_3, %mul3A_70 : i32
      %dma_start3A_72 = tpu.memref_slice %arg4[%arg1, %add3A_71] : memref<16x163840xf32, #tpu.memory_space<hbm>> -> memref<1x4096xf32, #tpu.memory_space<hbm>>
      %dma_start3A_73 = tpu.memref_squeeze %dma_start3A_72 : memref<1x4096xf32, #tpu.memory_space<hbm>> -> memref<4096xf32, #tpu.memory_space<hbm>>
      %dma_start3A_74 = tpu.memref_slice %arg4[%arg1, %add3A_71] : memref<16x163840xf32, #tpu.memory_space<hbm>> -> memref<1x4096xf32, #tpu.memory_space<hbm>>
      %dma_start3A_75 = tpu.memref_squeeze %dma_start3A_74 : memref<1x4096xf32, #tpu.memory_space<hbm>> -> memref<4096xf32, #tpu.memory_space<hbm>>
      tpu.enqueue_dma source(%arg9 : memref<4096xf32, #tpu.memory_space<vmem>>) target(%dma_start3A_75 : memref<4096xf32, #tpu.memory_space<hbm>>) target_semaphore(%arg12 : memref<!tpu.dma_semaphore, #tpu.memory_space<semaphore_mem>>)
    }
    %scan3A_10 = arith.constant 10 : i32
    "tpu.trace_start"() <{level = 10 : i32, message = "pwait"}> : () -> ()
    %dma_wait3A = arith.constant 0 : i32
    %dma_wait3A_11 = tpu.memref_slice %arg4[%arg1, %dma_wait3A] : memref<16x163840xf32, #tpu.memory_space<hbm>> -> memref<1x4096xf32, #tpu.memory_space<hbm>>
    %dma_wait3A_12 = tpu.memref_squeeze %dma_wait3A_11 : memref<1x4096xf32, #tpu.memory_space<hbm>> -> memref<4096xf32, #tpu.memory_space<hbm>>
    %dma_wait3A_13 = arith.constant 0 : i32
    %dma_wait3A_14 = tpu.memref_slice %arg4[%arg1, %dma_wait3A_13] : memref<16x163840xf32, #tpu.memory_space<hbm>> -> memref<1x4096xf32, #tpu.memory_space<hbm>>
    %dma_wait3A_15 = tpu.memref_squeeze %dma_wait3A_14 : memref<1x4096xf32, #tpu.memory_space<hbm>> -> memref<4096xf32, #tpu.memory_space<hbm>>
    tpu.wait_dma2 semaphore(%arg12 : memref<!tpu.dma_semaphore, #tpu.memory_space<semaphore_mem>>) src(%arg8 : memref<4096xf32, #tpu.memory_space<vmem>>) dst(%dma_wait3A_15 : memref<4096xf32, #tpu.memory_space<hbm>>)
    %dma_wait3A_16 = arith.constant 0 : i32
    %dma_wait3A_17 = tpu.memref_slice %arg4[%arg1, %dma_wait3A_16] : memref<16x163840xf32, #tpu.memory_space<hbm>> -> memref<1x4096xf32, #tpu.memory_space<hbm>>
    %dma_wait3A_18 = tpu.memref_squeeze %dma_wait3A_17 : memref<1x4096xf32, #tpu.memory_space<hbm>> -> memref<4096xf32, #tpu.memory_space<hbm>>
    %dma_wait3A_19 = arith.constant 0 : i32
    %dma_wait3A_20 = tpu.memref_slice %arg4[%arg1, %dma_wait3A_19] : memref<16x163840xf32, #tpu.memory_space<hbm>> -> memref<1x4096xf32, #tpu.memory_space<hbm>>
    %dma_wait3A_21 = tpu.memref_squeeze %dma_wait3A_20 : memref<1x4096xf32, #tpu.memory_space<hbm>> -> memref<4096xf32, #tpu.memory_space<hbm>>
    tpu.wait_dma2 semaphore(%arg12 : memref<!tpu.dma_semaphore, #tpu.memory_space<semaphore_mem>>) src(%arg9 : memref<4096xf32, #tpu.memory_space<vmem>>) dst(%dma_wait3A_21 : memref<4096xf32, #tpu.memory_space<hbm>>)
    "tpu.trace_stop"() : () -> ()
    return
  }
}

module attributes {stable_mosaic.version = 14 : i64} {
  func.func @_tc_body(%arg0: memref<16x1280x128xf32, #tpu.memory_space<vmem>>, %arg1: memref<1280x128xi32, #tpu.memory_space<vmem>>, %arg2: memref<1280x128xi32, #tpu.memory_space<vmem>>, %arg3: memref<1280x128xf32, #tpu.memory_space<vmem>>, %arg4: memref<1x1xf32, #tpu.memory_space<vmem>>, %arg5: memref<1x1xf32, #tpu.memory_space<vmem>>, %arg6: memref<1x1xf32, #tpu.memory_space<vmem>>, %arg7: memref<1280x128xf32, #tpu.memory_space<vmem>>) attributes {dimension_semantics = [], scalar_prefetch = 0 : i64, scratch_operands = 0 : i64, tpu.core_type = #tpu.core_type<tc>} {
    %get3A = arith.constant 0 : index
    %get3A_0 = arith.constant 0 : index
    %get3A_1 = vector.load %arg4[%get3A, %get3A_0] : memref<1x1xf32, #tpu.memory_space<vmem>>, vector<1x1xf32>
    %get3A_2 = vector.extract %get3A_1[0, 0] : f32 from vector<1x1xf32>
    %exp3A = math.exp %get3A_2 : f32
    %get3A_3 = arith.constant 0 : index
    %get3A_4 = arith.constant 0 : index
    %get3A_5 = vector.load %arg5[%get3A_3, %get3A_4] : memref<1x1xf32, #tpu.memory_space<vmem>>, vector<1x1xf32>
    %get3A_6 = vector.extract %get3A_5[0, 0] : f32 from vector<1x1xf32>
    %exp3A_7 = math.exp %get3A_6 : f32
    %get3A_8 = arith.constant 0 : index
    %get3A_9 = arith.constant 0 : index
    %get3A_10 = vector.load %arg6[%get3A_8, %get3A_9] : memref<1x1xf32, #tpu.memory_space<vmem>>, vector<1x1xf32>
    %get3A_11 = vector.extract %get3A_10[0, 0] : f32 from vector<1x1xf32>
    %exp3A_12 = math.exp %get3A_11 : f32
    %get3A_13 = arith.constant 0 : index
    %get3A_14 = arith.constant 0 : index
    %get3A_15 = vector.load %arg2[%get3A_13, %get3A_14] : memref<1280x128xi32, #tpu.memory_space<vmem>>, vector<1280x128xi32>
    %get3A_16 = arith.constant 0 : index
    %get3A_17 = arith.constant 0 : index
    %get3A_18 = vector.load %arg1[%get3A_16, %get3A_17] : memref<1280x128xi32, #tpu.memory_space<vmem>>, vector<1280x128xi32>
    %sub3A = arith.subi %get3A_15, %get3A_18 : vector<1280x128xi32>
    %abs3A = math.absi %sub3A : vector<1280x128xi32>
    %convert_element_type3A = arith.sitofp %abs3A : vector<1280x128xi32> to vector<1280x128xf32>
    %add3A = arith.constant 1.000000e+00 : f32
    %add3A_19 = vector.broadcast %add3A : f32 to vector<1280x128xf32>
    %add3A_20 = arith.addf %convert_element_type3A, %add3A_19 : vector<1280x128xf32>
    %neg3A = arith.constant 0.000000e+00 : f32
    %neg3A_21 = arith.subf %neg3A, %exp3A_7 : f32
    %log3A = math.log %add3A_20 : vector<1280x128xf32>
    %mul3A = vector.broadcast %neg3A_21 : f32 to vector<1280x128xf32>
    %mul3A_22 = arith.mulf %mul3A, %log3A : vector<1280x128xf32>
    %exp3A_23 = math.exp %mul3A_22 : vector<1280x128xf32>
    %get3A_24 = arith.constant 0 : index
    %get3A_25 = arith.constant 0 : index
    %get3A_26 = arith.constant 0 : index
    %get3A_27 = vector.load %arg0[%get3A_24, %get3A_25, %get3A_26] : memref<16x1280x128xf32, #tpu.memory_space<vmem>>, vector<16x1280x128xf32>
    %reduce_sum3A = arith.constant dense<0.000000e+00> : vector<1280x128xf32>
    %reduce_sum3A_28 = vector.multi_reduction <add>, %get3A_27, %reduce_sum3A [0] : vector<16x1280x128xf32> to vector<1280x128xf32>
    %neg3A_29 = arith.constant 0.000000e+00 : f32
    %neg3A_30 = vector.broadcast %neg3A_29 : f32 to vector<1280x128xf32>
    %neg3A_31 = arith.subf %neg3A_30, %reduce_sum3A_28 : vector<1280x128xf32>
    %exp3A_32 = math.exp %neg3A_31 : vector<1280x128xf32>
    %add3A_33 = arith.constant 1.000000e+00 : f32
    %add3A_34 = vector.broadcast %add3A_33 : f32 to vector<1280x128xf32>
    %add3A_35 = arith.addf %add3A_34, %exp3A_32 : vector<1280x128xf32>
    %div3A = arith.constant 1.000000e+00 : f32
    %div3A_36 = vector.broadcast %div3A : f32 to vector<1280x128xf32>
    %div3A_37 = arith.divf %div3A_36, %add3A_35 : vector<1280x128xf32>
    %mul3A_38 = vector.broadcast %exp3A : f32 to vector<1280x128xf32>
    %mul3A_39 = arith.mulf %exp3A_23, %mul3A_38 : vector<1280x128xf32>
    %mul3A_40 = vector.broadcast %exp3A_12 : f32 to vector<1280x128xf32>
    %mul3A_41 = arith.mulf %div3A_37, %mul3A_40 : vector<1280x128xf32>
    %add3A_42 = arith.addf %mul3A_39, %mul3A_41 : vector<1280x128xf32>
    %add3A_43 = arith.constant 1.000000e-15 : f32
    %add3A_44 = vector.broadcast %add3A_43 : f32 to vector<1280x128xf32>
    %add3A_45 = arith.addf %add3A_42, %add3A_44 : vector<1280x128xf32>
    %sub3A_46 = arith.constant 1.000000e+00 : f32
    %sub3A_47 = vector.broadcast %sub3A_46 : f32 to vector<1280x128xf32>
    %sub3A_48 = arith.subf %sub3A_47, %exp3A_23 : vector<1280x128xf32>
    %mul3A_49 = vector.broadcast %exp3A : f32 to vector<1280x128xf32>
    %mul3A_50 = arith.mulf %sub3A_48, %mul3A_49 : vector<1280x128xf32>
    %sub3A_51 = arith.constant 1.000000e+00 : f32
    %sub3A_52 = vector.broadcast %sub3A_51 : f32 to vector<1280x128xf32>
    %sub3A_53 = arith.subf %sub3A_52, %div3A_37 : vector<1280x128xf32>
    %mul3A_54 = vector.broadcast %exp3A_12 : f32 to vector<1280x128xf32>
    %mul3A_55 = arith.mulf %sub3A_53, %mul3A_54 : vector<1280x128xf32>
    %add3A_56 = arith.addf %mul3A_50, %mul3A_55 : vector<1280x128xf32>
    %add3A_57 = arith.constant 1.000000e-15 : f32
    %add3A_58 = vector.broadcast %add3A_57 : f32 to vector<1280x128xf32>
    %add3A_59 = arith.addf %add3A_56, %add3A_58 : vector<1280x128xf32>
    %get3A_60 = arith.constant 0 : index
    %get3A_61 = arith.constant 0 : index
    %get3A_62 = vector.load %arg3[%get3A_60, %get3A_61] : memref<1280x128xf32, #tpu.memory_space<vmem>>, vector<1280x128xf32>
    %jit3A = arith.constant 1.000000e-03 : f32
    %jit3A_63 = arith.constant 9.990000e-01 : f32
    %max3A = vector.broadcast %jit3A : f32 to vector<1280x128xf32>
    %max3A_64 = arith.maximumf %max3A, %get3A_62 : vector<1280x128xf32>
    %min3A = vector.broadcast %jit3A_63 : f32 to vector<1280x128xf32>
    %min3A_65 = arith.minimumf %min3A, %max3A_64 : vector<1280x128xf32>
    %sub3A_66 = arith.constant 1.000000e+00 : f32
    %sub3A_67 = vector.broadcast %sub3A_66 : f32 to vector<1280x128xf32>
    %sub3A_68 = arith.subf %add3A_45, %sub3A_67 : vector<1280x128xf32>
    %log3A_69 = math.log %min3A_65 : vector<1280x128xf32>
    %mul3A_70 = arith.mulf %sub3A_68, %log3A_69 : vector<1280x128xf32>
    %sub3A_71 = arith.constant 1.000000e+00 : f32
    %sub3A_72 = vector.broadcast %sub3A_71 : f32 to vector<1280x128xf32>
    %sub3A_73 = arith.subf %add3A_59, %sub3A_72 : vector<1280x128xf32>
    %sub3A_74 = arith.constant 1.000000e+00 : f32
    %sub3A_75 = vector.broadcast %sub3A_74 : f32 to vector<1280x128xf32>
    %sub3A_76 = arith.subf %sub3A_75, %min3A_65 : vector<1280x128xf32>
    %log3A_77 = math.log %sub3A_76 : vector<1280x128xf32>
    %mul3A_78 = arith.mulf %sub3A_73, %log3A_77 : vector<1280x128xf32>
    %add3A_79 = arith.addf %mul3A_70, %mul3A_78 : vector<1280x128xf32>
    %add3A_80 = arith.constant 1.000000e+00 : f32
    %add3A_81 = vector.broadcast %add3A_80 : f32 to vector<1280x128xf32>
    %add3A_82 = arith.addf %add3A_45, %add3A_81 : vector<1280x128xf32>
    %mul3A_83 = arith.mulf %add3A_45, %add3A_82 : vector<1280x128xf32>
    %add3A_84 = arith.constant 2.000000e+00 : f32
    %add3A_85 = vector.broadcast %add3A_84 : f32 to vector<1280x128xf32>
    %add3A_86 = arith.addf %add3A_45, %add3A_85 : vector<1280x128xf32>
    %mul3A_87 = arith.mulf %mul3A_83, %add3A_86 : vector<1280x128xf32>
    %add3A_88 = arith.constant 3.000000e+00 : f32
    %add3A_89 = vector.broadcast %add3A_88 : f32 to vector<1280x128xf32>
    %add3A_90 = arith.addf %add3A_45, %add3A_89 : vector<1280x128xf32>
    %mul3A_91 = arith.mulf %mul3A_87, %add3A_90 : vector<1280x128xf32>
    %add3A_92 = arith.constant 4.000000e+00 : f32
    %add3A_93 = vector.broadcast %add3A_92 : f32 to vector<1280x128xf32>
    %add3A_94 = arith.addf %add3A_45, %add3A_93 : vector<1280x128xf32>
    %mul3A_95 = arith.mulf %mul3A_91, %add3A_94 : vector<1280x128xf32>
    %add3A_96 = arith.constant 5.000000e+00 : f32
    %add3A_97 = vector.broadcast %add3A_96 : f32 to vector<1280x128xf32>
    %add3A_98 = arith.addf %add3A_45, %add3A_97 : vector<1280x128xf32>
    %mul3A_99 = arith.mulf %mul3A_95, %add3A_98 : vector<1280x128xf32>
    %add3A_100 = arith.constant 6.000000e+00 : f32
    %add3A_101 = vector.broadcast %add3A_100 : f32 to vector<1280x128xf32>
    %add3A_102 = arith.addf %add3A_45, %add3A_101 : vector<1280x128xf32>
    %mul3A_103 = arith.mulf %mul3A_99, %add3A_102 : vector<1280x128xf32>
    %add3A_104 = arith.constant 7.000000e+00 : f32
    %add3A_105 = vector.broadcast %add3A_104 : f32 to vector<1280x128xf32>
    %add3A_106 = arith.addf %add3A_45, %add3A_105 : vector<1280x128xf32>
    %mul3A_107 = arith.mulf %mul3A_103, %add3A_106 : vector<1280x128xf32>
    %add3A_108 = arith.constant 8.000000e+00 : f32
    %add3A_109 = vector.broadcast %add3A_108 : f32 to vector<1280x128xf32>
    %add3A_110 = arith.addf %add3A_45, %add3A_109 : vector<1280x128xf32>
    %div3A_111 = arith.constant 1.000000e+00 : f32
    %div3A_112 = vector.broadcast %div3A_111 : f32 to vector<1280x128xf32>
    %div3A_113 = arith.divf %div3A_112, %add3A_110 : vector<1280x128xf32>
    %mul3A_114 = arith.mulf %div3A_113, %div3A_113 : vector<1280x128xf32>
    %mul3A_115 = arith.constant 7.93650805E-4 : f32
    %mul3A_116 = vector.broadcast %mul3A_115 : f32 to vector<1280x128xf32>
    %mul3A_117 = arith.mulf %mul3A_114, %mul3A_116 : vector<1280x128xf32>
    %add3A_118 = arith.constant -0.00277777785 : f32
    %add3A_119 = vector.broadcast %add3A_118 : f32 to vector<1280x128xf32>
    %add3A_120 = arith.addf %add3A_119, %mul3A_117 : vector<1280x128xf32>
    %mul3A_121 = arith.mulf %mul3A_114, %add3A_120 : vector<1280x128xf32>
    %add3A_122 = arith.constant 0.0833333358 : f32
    %add3A_123 = vector.broadcast %add3A_122 : f32 to vector<1280x128xf32>
    %add3A_124 = arith.addf %add3A_123, %mul3A_121 : vector<1280x128xf32>
    %mul3A_125 = arith.mulf %div3A_113, %add3A_124 : vector<1280x128xf32>
    %sub3A_126 = arith.constant 5.000000e-01 : f32
    %sub3A_127 = vector.broadcast %sub3A_126 : f32 to vector<1280x128xf32>
    %sub3A_128 = arith.subf %add3A_110, %sub3A_127 : vector<1280x128xf32>
    %log3A_129 = math.log %add3A_110 : vector<1280x128xf32>
    %mul3A_130 = arith.mulf %sub3A_128, %log3A_129 : vector<1280x128xf32>
    %sub3A_131 = arith.subf %mul3A_130, %add3A_110 : vector<1280x128xf32>
    %add3A_132 = arith.constant 0.918938517 : f32
    %add3A_133 = vector.broadcast %add3A_132 : f32 to vector<1280x128xf32>
    %add3A_134 = arith.addf %sub3A_131, %add3A_133 : vector<1280x128xf32>
    %add3A_135 = arith.addf %add3A_134, %mul3A_125 : vector<1280x128xf32>
    %log3A_136 = math.log %mul3A_107 : vector<1280x128xf32>
    %sub3A_137 = arith.subf %add3A_135, %log3A_136 : vector<1280x128xf32>
    %add3A_138 = arith.constant 1.000000e+00 : f32
    %add3A_139 = vector.broadcast %add3A_138 : f32 to vector<1280x128xf32>
    %add3A_140 = arith.addf %add3A_59, %add3A_139 : vector<1280x128xf32>
    %mul3A_141 = arith.mulf %add3A_59, %add3A_140 : vector<1280x128xf32>
    %add3A_142 = arith.constant 2.000000e+00 : f32
    %add3A_143 = vector.broadcast %add3A_142 : f32 to vector<1280x128xf32>
    %add3A_144 = arith.addf %add3A_59, %add3A_143 : vector<1280x128xf32>
    %mul3A_145 = arith.mulf %mul3A_141, %add3A_144 : vector<1280x128xf32>
    %add3A_146 = arith.constant 3.000000e+00 : f32
    %add3A_147 = vector.broadcast %add3A_146 : f32 to vector<1280x128xf32>
    %add3A_148 = arith.addf %add3A_59, %add3A_147 : vector<1280x128xf32>
    %mul3A_149 = arith.mulf %mul3A_145, %add3A_148 : vector<1280x128xf32>
    %add3A_150 = arith.constant 4.000000e+00 : f32
    %add3A_151 = vector.broadcast %add3A_150 : f32 to vector<1280x128xf32>
    %add3A_152 = arith.addf %add3A_59, %add3A_151 : vector<1280x128xf32>
    %mul3A_153 = arith.mulf %mul3A_149, %add3A_152 : vector<1280x128xf32>
    %add3A_154 = arith.constant 5.000000e+00 : f32
    %add3A_155 = vector.broadcast %add3A_154 : f32 to vector<1280x128xf32>
    %add3A_156 = arith.addf %add3A_59, %add3A_155 : vector<1280x128xf32>
    %mul3A_157 = arith.mulf %mul3A_153, %add3A_156 : vector<1280x128xf32>
    %add3A_158 = arith.constant 6.000000e+00 : f32
    %add3A_159 = vector.broadcast %add3A_158 : f32 to vector<1280x128xf32>
    %add3A_160 = arith.addf %add3A_59, %add3A_159 : vector<1280x128xf32>
    %mul3A_161 = arith.mulf %mul3A_157, %add3A_160 : vector<1280x128xf32>
    %add3A_162 = arith.constant 7.000000e+00 : f32
    %add3A_163 = vector.broadcast %add3A_162 : f32 to vector<1280x128xf32>
    %add3A_164 = arith.addf %add3A_59, %add3A_163 : vector<1280x128xf32>
    %mul3A_165 = arith.mulf %mul3A_161, %add3A_164 : vector<1280x128xf32>
    %add3A_166 = arith.constant 8.000000e+00 : f32
    %add3A_167 = vector.broadcast %add3A_166 : f32 to vector<1280x128xf32>
    %add3A_168 = arith.addf %add3A_59, %add3A_167 : vector<1280x128xf32>
    %div3A_169 = arith.constant 1.000000e+00 : f32
    %div3A_170 = vector.broadcast %div3A_169 : f32 to vector<1280x128xf32>
    %div3A_171 = arith.divf %div3A_170, %add3A_168 : vector<1280x128xf32>
    %mul3A_172 = arith.mulf %div3A_171, %div3A_171 : vector<1280x128xf32>
    %mul3A_173 = arith.constant 7.93650805E-4 : f32
    %mul3A_174 = vector.broadcast %mul3A_173 : f32 to vector<1280x128xf32>
    %mul3A_175 = arith.mulf %mul3A_172, %mul3A_174 : vector<1280x128xf32>
    %add3A_176 = arith.constant -0.00277777785 : f32
    %add3A_177 = vector.broadcast %add3A_176 : f32 to vector<1280x128xf32>
    %add3A_178 = arith.addf %add3A_177, %mul3A_175 : vector<1280x128xf32>
    %mul3A_179 = arith.mulf %mul3A_172, %add3A_178 : vector<1280x128xf32>
    %add3A_180 = arith.constant 0.0833333358 : f32
    %add3A_181 = vector.broadcast %add3A_180 : f32 to vector<1280x128xf32>
    %add3A_182 = arith.addf %add3A_181, %mul3A_179 : vector<1280x128xf32>
    %mul3A_183 = arith.mulf %div3A_171, %add3A_182 : vector<1280x128xf32>
    %sub3A_184 = arith.constant 5.000000e-01 : f32
    %sub3A_185 = vector.broadcast %sub3A_184 : f32 to vector<1280x128xf32>
    %sub3A_186 = arith.subf %add3A_168, %sub3A_185 : vector<1280x128xf32>
    %log3A_187 = math.log %add3A_168 : vector<1280x128xf32>
    %mul3A_188 = arith.mulf %sub3A_186, %log3A_187 : vector<1280x128xf32>
    %sub3A_189 = arith.subf %mul3A_188, %add3A_168 : vector<1280x128xf32>
    %add3A_190 = arith.constant 0.918938517 : f32
    %add3A_191 = vector.broadcast %add3A_190 : f32 to vector<1280x128xf32>
    %add3A_192 = arith.addf %sub3A_189, %add3A_191 : vector<1280x128xf32>
    %add3A_193 = arith.addf %add3A_192, %mul3A_183 : vector<1280x128xf32>
    %log3A_194 = math.log %mul3A_165 : vector<1280x128xf32>
    %sub3A_195 = arith.subf %add3A_193, %log3A_194 : vector<1280x128xf32>
    %add3A_196 = arith.addf %sub3A_137, %sub3A_195 : vector<1280x128xf32>
    %add3A_197 = arith.addf %add3A_45, %add3A_59 : vector<1280x128xf32>
    %add3A_198 = arith.constant 1.000000e+00 : f32
    %add3A_199 = vector.broadcast %add3A_198 : f32 to vector<1280x128xf32>
    %add3A_200 = arith.addf %add3A_197, %add3A_199 : vector<1280x128xf32>
    %mul3A_201 = arith.mulf %add3A_197, %add3A_200 : vector<1280x128xf32>
    %add3A_202 = arith.constant 2.000000e+00 : f32
    %add3A_203 = vector.broadcast %add3A_202 : f32 to vector<1280x128xf32>
    %add3A_204 = arith.addf %add3A_197, %add3A_203 : vector<1280x128xf32>
    %mul3A_205 = arith.mulf %mul3A_201, %add3A_204 : vector<1280x128xf32>
    %add3A_206 = arith.constant 3.000000e+00 : f32
    %add3A_207 = vector.broadcast %add3A_206 : f32 to vector<1280x128xf32>
    %add3A_208 = arith.addf %add3A_197, %add3A_207 : vector<1280x128xf32>
    %mul3A_209 = arith.mulf %mul3A_205, %add3A_208 : vector<1280x128xf32>
    %add3A_210 = arith.constant 4.000000e+00 : f32
    %add3A_211 = vector.broadcast %add3A_210 : f32 to vector<1280x128xf32>
    %add3A_212 = arith.addf %add3A_197, %add3A_211 : vector<1280x128xf32>
    %mul3A_213 = arith.mulf %mul3A_209, %add3A_212 : vector<1280x128xf32>
    %add3A_214 = arith.constant 5.000000e+00 : f32
    %add3A_215 = vector.broadcast %add3A_214 : f32 to vector<1280x128xf32>
    %add3A_216 = arith.addf %add3A_197, %add3A_215 : vector<1280x128xf32>
    %mul3A_217 = arith.mulf %mul3A_213, %add3A_216 : vector<1280x128xf32>
    %add3A_218 = arith.constant 6.000000e+00 : f32
    %add3A_219 = vector.broadcast %add3A_218 : f32 to vector<1280x128xf32>
    %add3A_220 = arith.addf %add3A_197, %add3A_219 : vector<1280x128xf32>
    %mul3A_221 = arith.mulf %mul3A_217, %add3A_220 : vector<1280x128xf32>
    %add3A_222 = arith.constant 7.000000e+00 : f32
    %add3A_223 = vector.broadcast %add3A_222 : f32 to vector<1280x128xf32>
    %add3A_224 = arith.addf %add3A_197, %add3A_223 : vector<1280x128xf32>
    %mul3A_225 = arith.mulf %mul3A_221, %add3A_224 : vector<1280x128xf32>
    %add3A_226 = arith.constant 8.000000e+00 : f32
    %add3A_227 = vector.broadcast %add3A_226 : f32 to vector<1280x128xf32>
    %add3A_228 = arith.addf %add3A_197, %add3A_227 : vector<1280x128xf32>
    %div3A_229 = arith.constant 1.000000e+00 : f32
    %div3A_230 = vector.broadcast %div3A_229 : f32 to vector<1280x128xf32>
    %div3A_231 = arith.divf %div3A_230, %add3A_228 : vector<1280x128xf32>
    %mul3A_232 = arith.mulf %div3A_231, %div3A_231 : vector<1280x128xf32>
    %mul3A_233 = arith.constant 7.93650805E-4 : f32
    %mul3A_234 = vector.broadcast %mul3A_233 : f32 to vector<1280x128xf32>
    %mul3A_235 = arith.mulf %mul3A_232, %mul3A_234 : vector<1280x128xf32>
    %add3A_236 = arith.constant -0.00277777785 : f32
    %add3A_237 = vector.broadcast %add3A_236 : f32 to vector<1280x128xf32>
    %add3A_238 = arith.addf %add3A_237, %mul3A_235 : vector<1280x128xf32>
    %mul3A_239 = arith.mulf %mul3A_232, %add3A_238 : vector<1280x128xf32>
    %add3A_240 = arith.constant 0.0833333358 : f32
    %add3A_241 = vector.broadcast %add3A_240 : f32 to vector<1280x128xf32>
    %add3A_242 = arith.addf %add3A_241, %mul3A_239 : vector<1280x128xf32>
    %mul3A_243 = arith.mulf %div3A_231, %add3A_242 : vector<1280x128xf32>
    %sub3A_244 = arith.constant 5.000000e-01 : f32
    %sub3A_245 = vector.broadcast %sub3A_244 : f32 to vector<1280x128xf32>
    %sub3A_246 = arith.subf %add3A_228, %sub3A_245 : vector<1280x128xf32>
    %log3A_247 = math.log %add3A_228 : vector<1280x128xf32>
    %mul3A_248 = arith.mulf %sub3A_246, %log3A_247 : vector<1280x128xf32>
    %sub3A_249 = arith.subf %mul3A_248, %add3A_228 : vector<1280x128xf32>
    %add3A_250 = arith.constant 0.918938517 : f32
    %add3A_251 = vector.broadcast %add3A_250 : f32 to vector<1280x128xf32>
    %add3A_252 = arith.addf %sub3A_249, %add3A_251 : vector<1280x128xf32>
    %add3A_253 = arith.addf %add3A_252, %mul3A_243 : vector<1280x128xf32>
    %log3A_254 = math.log %mul3A_225 : vector<1280x128xf32>
    %sub3A_255 = arith.subf %add3A_253, %log3A_254 : vector<1280x128xf32>
    %sub3A_256 = arith.subf %add3A_196, %sub3A_255 : vector<1280x128xf32>
    %sub3A_257 = arith.subf %add3A_79, %sub3A_256 : vector<1280x128xf32>
    %neg3A_258 = arith.constant 0.000000e+00 : f32
    %neg3A_259 = vector.broadcast %neg3A_258 : f32 to vector<1280x128xf32>
    %neg3A_260 = arith.subf %neg3A_259, %sub3A_257 : vector<1280x128xf32>
    %min3A_261 = arith.constant 5.000000e+01 : f32
    %min3A_262 = vector.broadcast %min3A_261 : f32 to vector<1280x128xf32>
    %min3A_263 = arith.minimumf %neg3A_260, %min3A_262 : vector<1280x128xf32>
    %swap3A = arith.constant 0 : index
    %swap3A_264 = arith.constant 0 : index
    %swap3A_265 = vector.load %arg7[%swap3A, %swap3A_264] : memref<1280x128xf32, #tpu.memory_space<vmem>>, vector<1280x128xf32>
    tpu.vector_store %arg7[%swap3A, %swap3A_264], %min3A_263 {strides = array<i32>} : memref<1280x128xf32, #tpu.memory_space<vmem>>, vector<1280x128xf32>,
    return
  }
}

</mosaic_0001>

<sc_bundles>
// kernel: kernel.4.cloned.1.call-start
scs
__scs_entry_jumppad:
0x0: {  	(pc) =	sbr.rel $0x88, $3  }
0x1: {  	(tag) =	ssettag $0x0;
	lr =	simm.s32 $0x1  }
0x2: {  	[smem:$0x3F9B] =	sst lr;
	_ =	strace $0xD0000000  }
0x3: {  	_ = 	snop  }
0x4: {  	_ = 	snop  }
0x5: {  	_ = 	snop  }
0x6: {  	_ = 	snop  }
0x7: {  	_ = 	snop  }
__scs_overlays_trampoline_lowered:
0x8: {  	[smem:$0x3FAA] =	sst s0  }
0x9: {  	[smem:$0x3FAB] =	sst s1  }
0xa: {  	[smem:$0x3FAC] =	sst s2  }
0xb: {  	[smem:$0x3FAD] =	sst s3  }
0xc: {  	[smem:$0x3FAE] =	sst s4  }
0xd: {  	[smem:$0x3FAF] =	sst s5  }
0xe: {  	[smem:$0x3FB0] =	sst s6  }
0xf: {  	[smem:$0x3FB1] =	sst s7  }
0x10: {  	[smem:$0x3FB2] =	sst s8  }
0x11: {  	[smem:$0x3FB3] =	sst s9;
	s0 =	simm.s32 @!p0 $0x0  }
0x12: {  	s1 =	sld [smem:$0x3F99];
	s0 =	simm.s32 @p0 $0x1  }
0x13: {  	[smem:$0x3FB4] =	sst s0;
	s0 =	simm.s32 @!p1 $0x0  }
0x14: {  	s2 =	sld [smem:$0x3F98];
	s0 =	simm.s32 @p1 $0x1  }
0x15: {  	[smem:$0x3FB5] =	sst s0;
	s0 =	simm.s32 @!p2 $0x0  }
0x16: {  	s3 =	sld [smem:$0x3FDB];
	s0 =	simm.s32 @p2 $0x1  }
0x17: {  	s4 =	simm.s32 $0x1BF5;
	[smem:$0x3FB7] =	sst s0  }
0x18: {  	s0 =	sld [smem:$0x3F9A];
	_ =	swait.ge [sflag:s4], $0x0  }
0x19: {  	s7 =	sld [smem:$0x3F9B]  }
0x1a: {  	s8 =	sadd.s32 $0xFFFFE003, lr  }
0x1b: {  	s9 =	sadd.s32 $0xFFFFFEF7, lr;
	s5 =	simm.s32 $0xFFFFFFFF;
	p2 =	slt.u32 s8, $0xFFFFF086  }
0x1c: {  	p1 =	slt.u32 s9, $0xF7A;
	s5 =	simm.s32 @!p2 $0x0  }
0x1d: {  	s5 =	simm.s32 @p1 $0x1;
	p0 =	seq.s32 s7, s2  }
0x1e: {  	s7 =	smul.u32 @!p0 $0xF7A, s2;
	p2 =	seq.s32 @!p0 s5, $0x0  }
0x1f: {  	s9 =	smul.u32 $0xF7A, s1;
	s8 =	simm.s32 @!p0 $0x1BF5;
	p2 =	por !p2, p0  }
0x20: {  	[sflag:s8] =	ssyncset.s32 @!p0 $0xFFFFF086;
	s6 =	sadd.s32 @!p0 s3, s7;
	s7 =	simm.s32 @!p0 $0x108  }
0x21: {  	s3 =	sadd.s32 s3, s9;
	s6 =	sadd.s32 @!p0 $0x88, s6;
	s7 =	simm.s32 @p2 $0x1082  }
0x22: {  	[simem:s7], [sflag:s8] =	dma.local @!p0 [hbm:s6], $0xF7A  }
0x23: {  	s9 =	sor.u32 $0xD0000000, s2;
	s6 =	simm.s32 $0x108;
	_ =	swait.ge @!p0 [sflag:s8], $0x0  }
0x24: {  	s3 =	sadd.s32 $0x88, s3;
	s6 =	simm.s32 @!p1 $0x1082;
	[sflag:s4] =	ssyncset.s32 $0xFFFFF086  }
0x25: {  	[simem:s6], [sflag:s4] =	dma.local [hbm:s3], $0xF7A  }
0x26: {  	[smem:$0x3F9B] =	sst s1;
	(tag) =	ssettag s2;
	_ =	strace s9  }
0x27: {  	s1 =	sld [smem:$0x3FAB]  }
0x28: {  	s2 =	sld [smem:$0x3FAC]  }
0x29: {  	s4 =	sld [smem:$0x3FAE]  }
0x2a: {  	p0 =	seq.s32 s5, $0x0;
	s5 =	sld [smem:$0x3FAF]  }
0x2b: {  	s6 =	sld [smem:$0x3FB0]  }
0x2c: {  	s7 =	sld [smem:$0x3FB1]  }
0x2d: {  	s3 =	simm.s32 $0x108;
	s8 =	sld [smem:$0x3FB2]  }
0x2e: {  	s3 =	simm.s32 @!p0 $0x1082;
	s9 =	sld [smem:$0x3FB3]  }
0x2f: {  	lr =	sadd.s32 s0, s3;
	s0 =	sld [smem:$0x3FAA]  }
0x30: {  	s3 =	sld [smem:$0x3FAD]  }
0x31: {  	[smem:$0x3FB6] =	sst s10  }
0x32: {  	s10 =	sld [smem:$0x3FB4];
	_ =	sdelay $0x3  }
0x33: {  	p0 =	seq.s32 s10, $0x1;
	s10 =	sld [smem:$0x3FB6];
	_ =	sdelay $0x3  }
0x34: {  	[smem:$0x3FB6] =	sst s10  }
0x35: {  	s10 =	sld [smem:$0x3FB5];
	_ =	sdelay $0x3  }
0x36: {  	p1 =	seq.s32 s10, $0x1;
	s10 =	sld [smem:$0x3FB6];
	_ =	sdelay $0x3  }
0x37: {  	[smem:$0x3FB6] =	sst s10  }
0x38: {  	s10 =	sld [smem:$0x3FB7]  }
0x39: {  	_ = 	snop;
	(pc) =	sbr.ind lr, $3  }
0x3a: {  	_ = 	snop  }
0x3b: {  	_ = 	snop  }
0x3c: {  	p2 =	seq.s32 s10, $0x1;
	s10 =	sld [smem:$0x3FB6]  }
0x3d: {  	_ =	shalt  }
0x3e: {  	_ =	shalt  }
0x3f: {  	_ =	shalt  }
0x40: {  	_ =	shalt  }
0x41: {  	_ =	shalt  }
0x42: {  	_ =	shalt  }
0x43: {  	_ =	shalt  }
0x44: {  	_ =	shalt  }
0x45: {  	_ =	shalt  }
0x46: {  	_ =	shalt  }
0x47: {  	_ =	shalt  }
0x48: {  	_ =	shalt  }
0x49: {  	_ =	shalt  }
0x4a: {  	_ =	shalt  }
0x4b: {  	_ =	shalt  }
0x4c: {  	_ =	shalt  }
0x4d: {  	_ =	shalt  }
0x4e: {  	_ =	shalt  }
0x4f: {  	_ =	shalt  }
0x50: {  	_ =	shalt  }
0x51: {  	_ =	shalt  }
0x52: {  	_ =	shalt  }
0x53: {  	_ =	shalt  }
0x54: {  	_ =	shalt  }
0x55: {  	_ =	shalt  }
0x56: {  	_ =	shalt  }
0x57: {  	_ =	shalt  }
0x58: {  	_ =	shalt  }
0x59: {  	_ =	shalt  }
0x5a: {  	_ =	shalt  }
0x5b: {  	_ =	shalt  }
0x5c: {  	_ =	shalt  }
0x5d: {  	_ =	shalt  }
0x5e: {  	_ =	shalt  }
0x5f: {  	_ =	shalt  }
0x60: {  	_ =	shalt  }
0x61: {  	_ =	shalt  }
0x62: {  	_ =	shalt  }
0x63: {  	_ =	shalt  }
0x64: {  	_ =	shalt  }
0x65: {  	_ =	shalt  }
0x66: {  	_ =	shalt  }
0x67: {  	_ =	shalt  }
0x68: {  	_ =	shalt  }
0x69: {  	_ =	shalt  }
0x6a: {  	_ =	shalt  }
0x6b: {  	_ =	shalt  }
0x6c: {  	_ =	shalt  }
0x6d: {  	_ =	shalt  }
0x6e: {  	_ =	shalt  }
0x6f: {  	_ =	shalt  }
0x70: {  	_ =	shalt  }
0x71: {  	_ =	shalt  }
0x72: {  	_ =	shalt  }
0x73: {  	_ =	shalt  }
0x74: {  	_ =	shalt  }
0x75: {  	_ =	shalt  }
0x76: {  	_ =	shalt  }
0x77: {  	_ =	shalt  }
0x78: {  	_ =	shalt  }
0x79: {  	_ =	shalt  }
0x7a: {  	_ =	shalt  }
0x7b: {  	_ =	shalt  }
0x7c: {  	_ =	shalt  }
0x7d: {  	_ =	shalt  }
0x7e: {  	_ =	shalt  }
0x7f: {  	_ =	shalt  }
0x80: {  	_ =	shalt  }
0x81: {  	_ =	shalt  }
0x82: {  	_ =	shalt  }
0x83: {  	_ =	shalt  }
0x84: {  	_ =	shalt  }
0x85: {  	_ =	shalt  }
0x86: {  	_ =	shalt  }
0x87: {  	_ =	shalt  }
.Lfunc_end0:
.L_simem_size_0:
called_computation_lowered:
.L_overlay_start_0:
0x88: {  	s2 =	sld [smem:$0x3FD9]  }
0x89: {  	s3 =	sld [smem:$0x3FFE];
	_ =	sdelay $0x1  }
0x8a: {  	s1 =	srdreg.scid  }
0x8b: {  	s0 =	sand.u32 $0x1, s1  }
0x8c: {  	s16 =	sshll.u32 s0, $0xA;
	s2 =	sadd.s32 s3, s2  }
0x8d: {  	s2 =	sadd.s32 s2, s16  }
0x8e: {  	[smem:$0x3FC2] =	sst s2  }
0x8f: {  	_ = 	snop  }
0x90: {  	(tm) =	ssettm $0x1  }
0x91: {  	s17 =	sld [smem:$0x3FFB];
	_ =	sdelay $0x3  }
0x92: {  	_ =	strace s17  }
0x93: {  	s2 =	sld [smem:$0x3FFC];
	_ =	sdelay $0x3  }
0x94: {  	_ =	strace s2  }
0x95: {  	s2 =	sld [smem:$0x3FFD];
	_ =	sdelay $0x3  }
0x96: {  	_ =	strace s2  }
0x97: {  	_ =	strace $0x8FFFFFFF  }
0x98: {  	s18 =	sld [smem:$0x3FDB];
	_ =	sdelay $0x1  }
0x99: {  	s19 =	simm.s32 $_scs_section_size  }
0x9a: {  	s4 =	simm.s32 $_size__tile_overlayer_lowered;
	s5 =	simm.s32 $_tile_overlayer_lowered  }
0x9b: {  	s22 =	simm.s32 $0x1BFF;
	s21 =	sshll.u32 s5, $0x1;
	s2 =	sadd.s32 s19, s18  }
0x9c: {  	s6 =	simm.s32 $0x0;
	s20 =	sshll.u32 s4, $0x1;
	s4 =	sadd.s32 s21, s2  }
0x9d: {  	[timem:s6], [sflag:s22] =	dma.local [hbm:s4], s20  }
0x9e: {  	_ =	swait.ge [sflag:s22], s20  }
0x9f: {  	s3 =	ssub.s32 $0x0, s20;
	[sflag:s22] =	ssyncset.done $0x0  }
0xa0: {  	[sflag:s22] =	ssyncadd.s32 s3;
	_ =	sdelay $0x1  }
0xa1: {  	s23 =	simm.s32 $0x1B8B  }
0xa2: {  	_ =	swait.ge [sflag:s23], $0x1  }
0xa3: {  	[sflag:s23] =	ssyncset.done $0x0  }
0xa4: {  	s25 =	simm.s32 $0x1B8E;
	s24 =	sld [smem:$0x3FFE];
	[sflag:s23] =	ssyncadd.s32 $0xFFFFFFFF  }
0xa5: {  	s26 =	simm.s32 $execute0_lowered;
	[smem:$0x3FD2] =	sst s25  }
0xa6: {  	s4 =	sshll.u32 s26, $0x1;
	_ =	strace $0x80000046;
	[dreg:$0x1] =	wrdreg $0xFFFFFFFF  }
0xa7: {  	s28 =	simm.s32 $_size_execute0_lowered;
	s2 =	sadd.s32 s2, s4;
	[dreg:$0x0] =	wrdreg $0x0  }
0xa8: {  	s4 =	sshll.u32 s28, $0x1;
	[dreg:$0x2] =	wrdreg s2  }
0xa9: {  	[dreg:$0x3] =	wrdreg s4  }
0xaa: {  	[dreg:$0x4] =	wrdreg $0xC0  }
0xab: {  	_ =	task [dreg:s6], $0x5FFFF  }
0xac: {  	[dreg:$0x1] =	wrdreg $0xFFFFFFFF  }
0xad: {  	[dreg:$0x0] =	wrdreg $0x60  }
0xae: {  	[dreg:$0x2] =	wrdreg s24  }
0xaf: {  	[dreg:$0x3] =	wrdreg $0x9  }
0xb0: {  	_ =	task.clear_ibuf [dreg:s6], $0x4FFFF;
	_ =	strace $0x90000046  }
0xb1: {  	s29 =	simm.s32 $0x9;
	_ =	strace $0x80000050  }
0xb2: {  	_ =	swait.ge [sflag:s29], $0x1  }
0xb3: {  	[sflag:s29] =	ssyncadd.s32 $0xFFFFFFFF  }
0xb4: {  	_ =	strace $0x90000050  }
0xb5: {  	_ =	sfence  }
0xb6: {  	s30 =	sld [smem:$0x0];
	_ =	sdelay $0x2  }
0xb7: {  	s31 =	sshll.u32 s1, $0xD;
	s1 =	sshrl.u32 s1, $0x2  }
0xb8: {  	s3 =	sand.u32 $0x4000, s31;
	s1 =	sadd.s32 s1, s30  }
0xb9: {  	s0 =	sor.u32 s3, s0;
	s1 =	sshll.u32 s1, $0x11  }
0xba: {  	s0 =	sor.u32 s1, s0  }
0xbb: {  	s0 =	sadd.s32 $0x8F2B, s0  }
0xbc: {  	[sflag:s0] =	ssyncadd.remote.s32 $0x1  }
0xbd: {  	_ =	sfence.sel $0xFFFF  }
0xbe: {  	[dreg:$0x0] =	wrdreg $0xFFFFFFFF;
	(pc) =	sbr.abs _section_cstart, $3  }
0xbf: {  	[dreg:$0x1] =	wrdreg $0xFFFFFFFF  }
0xc0: {  	_ =	task.clear_ibuf [dreg:s6], $0x2FFFF;
	_ =	strace $0x9FFFFFFF  }
0xc1: {  	(tm) =	ssettm $0x7FFFFFFF  }
tec
execute0_lowered:
.L_overlay_start_1:
0x0: {  	(tag) =	ssettag $0x1  }
0x1: {  	s2 =	rddreg [dreg:$0x0]  }
0x2: {  	s0 =	rddreg [dreg:$0x1]  }
0x3: {  	s1 =	stileid.u32;
	s3 =	simm.s32 $0x0;
	s5 =	srdreg.scid  }
0x4: {  	s13 =	simm.s32 $0x15880;
	s14 =	simm.s32 $0x1;
	s15 =	simm.s32 $0x17880  }
0x5: {  	s16 =	simm.s32 $0x2;
	s17 =	simm.s32 $0x18880;
	s18 =	simm.s32 $0x3  }
0x6: {  	s19 =	simm.s32 $0x0;
	s4 =	smul.u32 $0x2710, s1;
	[smem:$0x7FF] =	sst s3  }
0x7: {  	s6 =	sand.u32 $0x1, s5;
	s5 =	sadd.s32 $0xA000, s2;
	s11 =	smul.u32 $0x28000, s1  }
0x8: {  	_ =	strace $0x80000047;
	s8 =	ssub.s32 $0x2, s6;
	s9 =	smul.u32 $0x14000, s6  }
0x9: {  	s7 =	sadd.s32 s4, s2;
	s4 =	smul.u32 $0x28000, s6;
	s31 =	sshrl.u32 s8, $0x1  }
0xa: {  	s12 =	ssub.s32 s8, s31;
	s6 =	sadd.s32 $0x271000, s7;
	s8 =	sadd.s32 s9, s11  }
0xb: {  	s11 =	simm.s32 $0x4;
	s10 =	sshrl.u32 s4, $0x3;
	s9 =	sor.u32 $0x4000, s4  }
0xc: {  	s7 =	sadd.s32 s2, s10;
	s10 =	smax.u32 s12, $0x1;
	s12 =	simm.s32 $0x13880  }
.LBB2_1:
0xd: {  	_ =	strace $0x80000048  }
0xe: {  	[tilespmem:s3], [sflag:$0x4] =	stream.linear.gather [hbm4b:s6+s3], $0x13880, $0x200038;
	[tilespmem:$0x19880] =	vst v63  }
0xf: {  	_ =	swait.ge [sflag:s11], $0x13880  }
0x10: {  	[sflag:s11] =	ssyncset.done $0x0  }
0x11: {  	[sflag:s11] =	ssyncadd.s32 $0xFFFEC780  }
0x12: {  	s21 =	simm.s32 $0x0;
	_ =	strace $0x90000048  }
0x13: {  	[tilespmem:s12], [sflag:$0x1] =	stream.linear.gather [hbm4b:s7+s3], $0x2000, $0x38;
	[tilespmem:$0x19880] =	vst v63  }
.LBB2_2:
0x14: {  	s20 =	sshllo.u32 s21, $0x1  }
0x15: {  	s22 =	sshll.u32 s20, $0xD  }
0x16: {  	s22 =	sadd.s32 s4, s22  }
0x17: {  	s22 =	sshrl.u32 s22, $0x3  }
0x18: {  	s22 =	sadd.s32 s2, s22  }
0x19: {  	[tilespmem:s13], [sflag:$0x2] =	stream.linear.gather [hbm4b:s22+s3], $0x2000, $0x38;
	[tilespmem:$0x19880] =	vst v63  }
0x1a: {  	_ =	strace $0x80000049  }
0x1b: {  	_ =	swait.ge [sflag:s14], $0x2000  }
0x1c: {  	[sflag:s14] =	ssyncset.done $0x0  }
0x1d: {  	[sflag:s14] =	ssyncadd.s32 $0xFFFFE000  }
0x1e: {  	p0 =	seq.s32 s21, $0x0;
	_ =	strace $0x90000049  }
0x1f: {  	s22 =	simm.s32 @!p0 $0x3;
	_ =	strace @!p0 $0x8000004A  }
0x20: {  	_ =	swait.ge @!p0 [sflag:s22], $0x1000  }
0x21: {  	[sflag:s22] =	ssyncset.done @!p0 $0x0  }
0x22: {  	[sflag:s22] =	ssyncadd.s32 @!p0 $0xFFFFF000  }
0x23: {  	_ =	strace @!p0 $0x9000004A  }
0x24: {  	s31 =	simm.s32 $0x14890;
	_ =	strace $0x8000004B  }
0x25: {  	v0 =	vld [tilespmem:s31+$0xFFFFF000]  }
0x26: {  	v1 =	vld [tilespmem:s31+$0xFFFFEFF0]  }
0x27: {  	v2 =	vld [tilespmem:s31+$0x0];
	_ =	sdelay $0x2  }
0x28: {  	v3 =	vld [tilespmem:s31+$0xFFFFFFF0];
	v5 =	vshll.u32 v0, $0x3  }
0x29: {  	v7 =	vshll.u32 v1, $0x3  }
0x2a: {  	v2 =	vshll.u32 v2, $0x3  }
0x2b: {  	v0 =	vor.u32 $0x1, v5  }
0x2c: {  	v1 =	vor.u32 $0x1, v7  }
0x2d: {  	v3 =	vshll.u32 v3, $0x3;
	v4 =	vor.u32 $0x2, v2;
	v8 =	vld.idx.msk [tilespmem:v5+s3+$0x0], $0xffff  }
0x2e: {  	v6 =	vor.u32 $0x2, v3;
	v19 =	vld.idx.msk [tilespmem:v7+s3+$0x0], $0xffff  }
0x2f: {  	v9 =	vor.u32 $0x4, v2;
	v30 =	vld.idx.msk [tilespmem:v2+s3+$0x0], $0xffff  }
0x30: {  	v10 =	vor.u32 $0x1, v3;
	v11 =	vld.idx.msk [tilespmem:v0+s3+$0x0], $0xffff  }
0x31: {  	v13 =	vor.u32 $0x2, v7;
	v12 =	vld.idx.msk [tilespmem:v1+s3+$0x0], $0xffff  }
0x32: {  	v16 =	vor.u32 $0x3, v7;
	v14 =	vld.idx.msk [tilespmem:v4+s3+$0x0], $0xffff  }
0x33: {  	v17 =	vor.u32 $0x2, v5;
	v15 =	vld.idx.msk [tilespmem:v6+s3+$0x0], $0xffff  }
0x34: {  	v0 =	vor.u32 $0x5, v2;
	v9 =	vld.idx.msk [tilespmem:v9+s3+$0x0], $0xffff  }
0x35: {  	v21 =	vor.u32 $0x6, v5;
	v10 =	vld.idx.msk [tilespmem:v10+s3+$0x0], $0xffff  }
0x36: {  	v1 =	vor.u32 $0x3, v3;
	v22 =	vld.idx.msk [tilespmem:v13+s3+$0x0], $0xffff  }
0x37: {  	v4 =	vor.u32 $0x6, v2;
	v27 =	vld.idx.msk [tilespmem:v16+s3+$0x0], $0xffff  }
0x38: {  	v6 =	vor.u32 $0x5, v5;
	v31 =	vld.idx.msk [tilespmem:v17+s3+$0x0], $0xffff  }
0x39: {  	v18 =	vld.idx.msk [tilespmem:v0+s3+$0x0], $0xffff;
	v0 =	vor.u32 $0x1, v2  }
0x3a: {  	v13 =	vor.u32 $0x4, v5;
	v33 =	vld.idx.msk [tilespmem:v21+s3+$0x0], $0xffff  }
0x3b: {  	v20 =	vld.idx.msk [tilespmem:v1+s3+$0x0], $0xffff  }
0x3c: {  	v25 =	vor.u32 $0x4, v7;
	v26 =	vld.idx.msk [tilespmem:v4+s3+$0x0], $0xffff  }
0x3d: {  	v28 =	vor.u32 $0x3, v5;
	v29 =	vor.u32 $0x3, v2;
	v23 =	vld.idx.msk [tilespmem:v6+s3+$0x0], $0xffff  }
0x3e: {  	v32 =	vor.u32 $0x4, v3;
	v35 =	vor.u32 $0x7, v7;
	v21 =	vor.u32 $0x7, v3;
	v24 =	vld.idx.msk [tilespmem:v0+s3+$0x0], $0xffff  }
0x3f: {  	v1 =	vor.u32 $0x5, v7;
	v4 =	vor.u32 $0x6, v3;
	v12 =	vmul.bf16 v10, v12;
	v34 =	vld.idx.msk [tilespmem:v13+s3+$0x0], $0xffff  }
0x40: {  	v6 =	vor.u32 $0x6, v7;
	v10 =	vor.u32 $0x7, v2;
	v0 =	vor.u32 $0x5, v3;
	v3 =	vld.idx.msk [tilespmem:v3+s3+$0x0], $0xffff  }
0x41: {  	v2 =	vunpack.i.u.bf16.f32 v12;
	v7 =	vunpack.i.l.bf16.f32 v12;
	v12 =	vld.idx.msk [tilespmem:v25+s3+$0x0], $0xffff;
	v25 =	vmul.bf16 v14, v31  }
0x42: {  	v16 =	vor.u32 $0x7, v5;
	v13 =	vld.idx.msk [tilespmem:v29+s3+$0x0], $0xffff;
	v29 =	vmul.bf16 v30, v8;
	v20 =	vmul.bf16 v20, v27  }
0x43: {  	v14 =	vunpack.i.l.bf16.f32 v25;
	v18 =	vmul.bf16 v18, v23;
	v5 =	vmul.bf16 v24, v11;
	v24 =	vld.idx.msk [tilespmem:v28+s3+$0x0], $0xffff  }
0x44: {  	v9 =	vmul.bf16 v9, v34;
	v26 =	vmul.bf16 v26, v33;
	v8 =	vunpack.i.u.bf16.f32 v20  }
0x45: {  	v21 =	vld.idx.msk [tilespmem:v21+s3+$0x0], $0xffff;
	v11 =	vmul.bf16 v15, v22;
	v22 =	vunpack.i.l.bf16.f32 v29;
	v27 =	vmul.bf16 v3, v19  }
0x46: {  	s23 =	simm.s32 $0x17890;
	v23 =	vld.idx.msk [tilespmem:v35+s3+$0x0], $0xffff;
	v28 =	vunpack.i.u.bf16.f32 v29;
	v3 =	vunpack.i.u.bf16.f32 v18;
	v17 =	vunpack.i.u.bf16.f32 v5  }
0x47: {  	s24 =	simm.s32 $0x0;
	s25 =	simm.s32 $0x148B0;
	s22 =	simm.s32 $0x17890;
	v19 =	vld.idx.msk [tilespmem:v32+s3+$0x0], $0xffff;
	v15 =	vunpack.i.l.bf16.f32 v5;
	v5 =	vunpack.i.u.bf16.f32 v11;
	v11 =	vunpack.i.l.bf16.f32 v11  }
.LBB2_3:
0x48: {  	v29 =	vld [tilespmem:s25+$0xFFFFF000];
	s24 =	sadd.s32 $0x2, s24;
	v30 =	vunpack.i.l.bf16.f32 v27;
	v25 =	vunpack.i.u.bf16.f32 v25;
	v24 =	vmul.bf16 v13, v24;
	s23 =	sadd.s32 $0x20, s23  }
0x49: {  	v27 =	vunpack.i.u.bf16.f32 v27;
	v28 =	vadd.f32 $0.0e+00, v28;
	v31 =	vld [tilespmem:s25+$0xFFFFEFF0];
	p1 =	slt.u32 s24, $0xFE;
	v13 =	vunpack.i.u.bf16.f32 v26  }
0x4a: {  	v30 =	vadd.f32 $0.0e+00, v30;
	v34 =	vunpack.i.u.bf16.f32 v9;
	v32 =	vld [tilespmem:s25+$0xFFFFFFF0];
	v33 =	vunpack.i.l.bf16.f32 v24  }
0x4b: {  	v22 =	vadd.f32 $0.0e+00, v22;
	v26 =	vunpack.i.l.bf16.f32 v26;
	v17 =	vadd.f32 v17, v28;
	v35 =	vld [tilespmem:s25+$0x0]  }
0x4c: {  	v20 =	vunpack.i.l.bf16.f32 v20;
	v21 =	vmul.bf16 v21, v23;
	v23 =	vunpack.i.u.bf16.f32 v24;
	v16 =	vld.idx.msk [tilespmem:v16+s3+$0x0], $0xffff  }
0x4d: {  	v18 =	vunpack.i.l.bf16.f32 v18;
	v17 =	vadd.f32 v25, v17;
	v24 =	vshll.u32 v29, $0x3;
	v10 =	vld.idx.msk [tilespmem:v10+s3+$0x0], $0xffff  }
0x4e: {  	v27 =	vadd.f32 $0.0e+00, v27;
	v25 =	vshll.u32 v31, $0x3;
	v28 =	vor.u32 $0x1, v24;
	v6 =	vld.idx.msk [tilespmem:v6+s3+$0x0], $0xffff  }
0x4f: {  	v29 =	vshll.u32 v32, $0x3;
	v31 =	vor.u32 $0x1, v25;
	v4 =	vld.idx.msk [tilespmem:v4+s3+$0x0], $0xffff;
	v32 =	vunpack.i.u.bf16.f32 v21  }
0x50: {  	v21 =	vunpack.i.l.bf16.f32 v21;
	v36 =	vor.u32 $0x1, v29;
	v35 =	vshll.u32 v35, $0x3;
	v1 =	vld.idx.msk [tilespmem:v1+s3+$0x0], $0xffff  }
0x51: {  	v12 =	vmul.bf16 v19, v12;
	v37 =	vor.u32 $0x1, v35;
	v38 =	vor.u32 $0x2, v35;
	v0 =	vld.idx.msk [tilespmem:v0+s3+$0x0], $0xffff  }
0x52: {  	v15 =	vadd.f32 v15, v22;
	v19 =	vor.u32 $0x2, v29;
	v40 =	vor.u32 $0x4, v35;
	v39 =	vld.idx.msk [tilespmem:v24+s3+$0x0], $0xffff  }
0x53: {  	v7 =	vadd.f32 v7, v30;
	v22 =	vor.u32 $0x2, v24;
	v42 =	vor.u32 $0x3, v24;
	v41 =	vld.idx.msk [tilespmem:v25+s3+$0x0], $0xffff  }
0x54: {  	v30 =	vor.u32 $0x4, v24;
	v44 =	vunpack.i.l.bf16.f32 v12;
	v43 =	vor.u32 $0x5, v35;
	v28 =	vld.idx.msk [tilespmem:v28+s3+$0x0], $0xffff  }
0x55: {  	v7 =	vadd.f32 v11, v7;
	v11 =	vadd.f32 v14, v15;
	v45 =	vor.u32 $0x2, v25;
	v31 =	vld.idx.msk [tilespmem:v31+s3+$0x0], $0xffff  }
0x56: {  	v2 =	vadd.f32 v2, v27;
	v14 =	vor.u32 $0x3, v25;
	v15 =	vor.u32 $0x3, v29;
	v38 =	vld.idx.msk [tilespmem:v38+s3+$0x0], $0xffff  }
0x57: {  	v27 =	vor.u32 $0x5, v24;
	v46 =	vor.u32 $0x6, v35;
	v47 =	vmul.bf16 v10, v16;
	v19 =	vld.idx.msk [tilespmem:v19+s3+$0x0], $0xffff  }
0x58: {  	v2 =	vadd.f32 v5, v2;
	v48 =	vor.u32 $0x4, v25;
	v49 =	vor.u32 $0x3, v35;
	v40 =	vld.idx.msk [tilespmem:v40+s3+$0x0], $0xffff  }
0x59: {  	v5 =	vor.u32 $0x6, v24;
	v10 =	vmul.bf16 v4, v6;
	v4 =	vadd.f32 v33, v11;
	v43 =	vld.idx.msk [tilespmem:v43+s3+$0x0], $0xffff  }
0x5a: {  	v2 =	vadd.f32 v8, v2;
	v6 =	vadd.f32 v20, v7;
	v7 =	vunpack.i.l.bf16.f32 v9;
	v11 =	vld.idx.msk [tilespmem:v36+s3+$0x0], $0xffff  }
0x5b: {  	v9 =	vunpack.i.u.bf16.f32 v12;
	v1 =	vmul.bf16 v0, v1;
	v4 =	vadd.f32 v7, v4;
	v8 =	vld.idx.msk [tilespmem:v15+s3+$0x0], $0xffff  }
0x5c: {  	v2 =	vadd.f32 v9, v2;
	v0 =	vor.u32 $0x5, v29;
	v7 =	vadd.f32 v23, v17;
	v33 =	vld.idx.msk [tilespmem:v46+s3+$0x0], $0xffff  }
0x5d: {  	v12 =	vunpack.i.u.bf16.f32 v1;
	v16 =	vadd.f32 v18, v4;
	v15 =	vunpack.i.l.bf16.f32 v1;
	v9 =	vld.idx.msk [tilespmem:v27+s3+$0x0], $0xffff  }
0x5e: {  	v4 =	vor.u32 $0x6, v29;
	v7 =	vadd.f32 v34, v7;
	v1 =	vor.u32 $0x5, v25;
	v18 =	vld.idx.msk [tilespmem:v45+s3+$0x0], $0xffff  }
0x5f: {  	v20 =	vadd.f32 v44, v6;
	v23 =	vunpack.i.l.bf16.f32 v10;
	v26 =	vadd.f32 v26, v16;
	v17 =	vld.idx.msk [tilespmem:v37+s3+$0x0], $0xffff  }
0x60: {  	v6 =	vor.u32 $0x6, v25;
	v3 =	vadd.f32 v3, v7;
	v27 =	vunpack.i.u.bf16.f32 v10;
	v14 =	vld.idx.msk [tilespmem:v14+s3+$0x0], $0xffff  }
0x61: {  	v34 =	vor.u32 $0x4, v29;
	v2 =	vadd.f32 v12, v2;
	v36 =	vld.idx.msk [tilespmem:v5+s3+$0x0], $0xffff;
	v5 =	vadd.f32 v15, v20  }
0x62: {  	v10 =	vor.u32 $0x7, v35;
	v7 =	vmul.bf16 v11, v31;
	v15 =	vunpack.i.l.bf16.f32 v47;
	v11 =	vld.idx.msk [tilespmem:v35+s3+$0x0], $0xffff  }
0x63: {  	v16 =	vor.u32 $0x7, v24;
	v12 =	vadd.f32 v27, v2;
	v20 =	vld.idx.msk [tilespmem:v22+s3+$0x0], $0xffff;
	v5 =	vadd.f32 v23, v5  }
0x64: {  	v3 =	vadd.f32 v13, v3;
	v2 =	vunpack.i.u.bf16.f32 v7;
	v22 =	vunpack.i.u.bf16.f32 v47;
	v30 =	vld.idx.msk [tilespmem:v30+s3+$0x0], $0xffff  }
0x65: {  	v27 =	vadd.f32 v32, v12;
	v7 =	vunpack.i.l.bf16.f32 v7;
	v24 =	vmul.bf16 v17, v28;
	v23 =	vld.idx.msk [tilespmem:v29+s3+$0x0], $0xffff  }
0x66: {  	v28 =	vor.u32 $0x7, v25;
	v29 =	vor.u32 $0x7, v29;
	v5 =	vadd.f32 v21, v5;
	v13 =	vld.idx.msk [tilespmem:v49+s3+$0x0], $0xffff  }
0x67: {  	v3 =	vadd.f32 v22, v3;
	v21 =	vadd.f32 v15, v26;
	v17 =	vunpack.i.u.bf16.f32 v24;
	v12 =	vld.idx.msk [tilespmem:v48+s3+$0x0], $0xffff  }
0x68: {  	v18 =	vmul.bf16 v19, v18;
	v15 =	vunpack.i.l.bf16.f32 v24;
	v19 =	vmul.bf16 v11, v39;
	v24 =	vld.idx.msk [tilespmem:v42+s3+$0x0], $0xffff  }
.Ltmp0:
0x69: {  	v26 =	vadd.f32 v5, v27;
	v3 =	vadd.f32 v21, v3;
	v25 =	vmul.bf16 v38, v20;
	(pc) =	sbr.rel @p1 .LBB2_3-.Ltmp0, $4  }
0x6a: {  	v5 =	vunpack.i.u.bf16.f32 v18;
	v20 =	vmul.bf16 v8, v14;
	v22 =	vunpack.i.l.bf16.f32 v19  }
0x6b: {  	v11 =	vunpack.i.l.bf16.f32 v18;
	v18 =	vmul.bf16 v43, v9;
	v14 =	vunpack.i.l.bf16.f32 v25;
	v21 =	vld.idx.msk [tilespmem:v29+s3+$0x0], $0xffff;
	[tilespmem:s22+$0x0] =	vst v3  }
0x6c: {  	v27 =	vmul.bf16 v23, v41;
	v8 =	vunpack.i.u.bf16.f32 v20;
	v23 =	vld.idx.msk [tilespmem:v28+s3+$0x0], $0xffff;
	v28 =	vunpack.i.u.bf16.f32 v19;
	[tilespmem:s22+$0xFFFFFFF0] =	vst v26;
	s22 =	smov.u32 s23  }
0x6d: {  	s25 =	sadd.s32 $0x20, s25;
	v9 =	vmul.bf16 v40, v30;
	v3 =	vunpack.i.u.bf16.f32 v18;
	v26 =	vmul.bf16 v33, v36;
	v19 =	vld.idx.msk [tilespmem:v34+s3+$0x0], $0xffff  }
0x6e: {  	_ =	sdelay $0x1  }
0x6f: {  	v29 =	vunpack.i.l.bf16.f32 v27;
	v25 =	vunpack.i.u.bf16.f32 v25;
	v13 =	vmul.bf16 v13, v24  }
0x70: {  	v24 =	vunpack.i.u.bf16.f32 v27;
	v27 =	vadd.f32 $0.0e+00, v28;
	v22 =	vadd.f32 $0.0e+00, v22  }
0x71: {  	v6 =	vld.idx.msk [tilespmem:v6+s3+$0x0], $0xffff;
	v20 =	vunpack.i.l.bf16.f32 v20;
	v28 =	vunpack.i.u.bf16.f32 v26;
	v29 =	vadd.f32 $0.0e+00, v29  }
0x72: {  	v4 =	vld.idx.msk [tilespmem:v4+s3+$0x0], $0xffff;
	v31 =	vunpack.i.u.bf16.f32 v9;
	v26 =	vunpack.i.l.bf16.f32 v26;
	v30 =	vunpack.i.l.bf16.f32 v13  }
0x73: {  	v1 =	vld.idx.msk [tilespmem:v1+s3+$0x0], $0xffff;
	v17 =	vadd.f32 v17, v27;
	v15 =	vadd.f32 v15, v22;
	v13 =	vunpack.i.u.bf16.f32 v13  }
0x74: {  	v0 =	vld.idx.msk [tilespmem:v0+s3+$0x0], $0xffff;
	v22 =	vadd.f32 $0.0e+00, v24;
	v21 =	vmul.bf16 v21, v23;
	v7 =	vadd.f32 v7, v29  }
0x75: {  	v17 =	vadd.f32 v25, v17;
	v12 =	vmul.bf16 v19, v12;
	v14 =	vadd.f32 v14, v15  }
0x76: {  	v15 =	vunpack.i.l.bf16.f32 v18;
	v2 =	vadd.f32 v2, v22;
	v18 =	vunpack.i.u.bf16.f32 v21  }
0x77: {  	v16 =	vld.idx.msk [tilespmem:v16+s3+$0x0], $0xffff;
	v7 =	vadd.f32 v11, v7;
	v4 =	vmul.bf16 v4, v6;
	v11 =	vadd.f32 v30, v14  }
0x78: {  	v10 =	vld.idx.msk [tilespmem:v10+s3+$0x0], $0xffff;
	v2 =	vadd.f32 v5, v2;
	v5 =	vunpack.i.l.bf16.f32 v9;
	v6 =	vadd.f32 v13, v17  }
0x79: {  	v0 =	vmul.bf16 v0, v1;
	v7 =	vadd.f32 v20, v7;
	v5 =	vadd.f32 v5, v11  }
0x7a: {  	v19 =	vunpack.i.l.bf16.f32 v12;
	v2 =	vadd.f32 v8, v2;
	v6 =	vadd.f32 v31, v6  }
0x7b: {  	v1 =	vunpack.i.u.bf16.f32 v12;
	v7 =	vadd.f32 v19, v7;
	v5 =	vadd.f32 v15, v5  }
0x7c: {  	v1 =	vadd.f32 v1, v2;
	v2 =	vunpack.i.u.bf16.f32 v0;
	v0 =	vunpack.i.l.bf16.f32 v0  }
0x7d: {  	v10 =	vmul.bf16 v10, v16;
	v3 =	vadd.f32 v3, v6;
	v0 =	vadd.f32 v0, v7  }
0x7e: {  	v6 =	vunpack.i.l.bf16.f32 v4;
	v5 =	vadd.f32 v26, v5;
	v1 =	vadd.f32 v2, v1  }
0x7f: {  	v2 =	vunpack.i.u.bf16.f32 v4;
	v4 =	vunpack.i.l.bf16.f32 v10;
	v3 =	vadd.f32 v28, v3  }
0x80: {  	v0 =	vadd.f32 v6, v0;
	v1 =	vadd.f32 v2, v1;
	v2 =	vunpack.i.u.bf16.f32 v10  }
0x81: {  	v6 =	vunpack.i.l.bf16.f32 v21;
	v4 =	vadd.f32 v4, v5;
	v2 =	vadd.f32 v2, v3  }
0x82: {  	v0 =	vadd.f32 v6, v0;
	v1 =	vadd.f32 v18, v1  }
0x83: {  	v2 =	vadd.f32 v4, v2  }
0x84: {  	s23 =	sshll.u32 s21, $0xD;
	v0 =	vadd.f32 v0, v1  }
0x85: {  	s23 =	sadd.s32 s23, s8;
	[tilespmem:s22+$0x0] =	vst v2  }
0x86: {  	s30 =	sshrl.u32 s23, $0x3;
	[tilespmem:s22+$0xFFFFFFF0] =	vst v0  }
0x87: {  	p1 =	seq.s32 s21, $0x9;
	s22 =	sadd.s32 s5, s30;
	_ =	strace $0x9000004B  }
0x88: {  	[hbm4b:s22+s3] =	stream.linear.scatter [tilespmem:s15], [sflag:$0x3], $0x1000, $0x38;
	[tilespmem:$0x19880] =	vst v63  }
0x89: {  	s22 =	sshll.u32 @!p1 s21, $0xE  }
0x8a: {  	s22 =	sadd.s32 @!p1 s22, s9  }
0x8b: {  	s22 =	sshrl.u32 @!p1 s22, $0x3  }
0x8c: {  	s24 =	simm.s32 @!p1 $0x13880;
	s23 =	simm.s32 @!p1 $0x0;
	s22 =	sadd.s32 @!p1 s2, s22  }
0x8d: {  	[tilespmem:s24], [sflag:$0x1] =	stream.linear.gather @!p1 [hbm4b:s22+s23], $0x2000, $0x38;
	[tilespmem:$0x19880] =	vst v63  }
0x8e: {  	_ =	strace $0x8000004C  }
0x8f: {  	_ =	swait.ge [sflag:s16], $0x2000  }
0x90: {  	[sflag:s16] =	ssyncset.done $0x0  }
0x91: {  	[sflag:s16] =	ssyncadd.s32 $0xFFFFE000  }
0x92: {  	_ =	strace $0x9000004C  }
0x93: {  	s22 =	simm.s32 @!p0 $0x3;
	_ =	strace @!p0 $0x8000004D  }
0x94: {  	_ =	swait.ge @!p0 [sflag:s22], $0x1000  }
0x95: {  	[sflag:s22] =	ssyncset.done @!p0 $0x0  }
0x96: {  	[sflag:s22] =	ssyncadd.s32 @!p0 $0xFFFFF000  }
0x97: {  	_ =	strace @!p0 $0x9000004D  }
0x98: {  	s31 =	simm.s32 $0x16890;
	_ =	strace $0x8000004E  }
0x99: {  	v0 =	vld [tilespmem:s31+$0xFFFFF000]  }
0x9a: {  	v1 =	vld [tilespmem:s31+$0xFFFFEFF0]  }
0x9b: {  	v2 =	vld [tilespmem:s31+$0x0];
	_ =	sdelay $0x2  }
0x9c: {  	v3 =	vld [tilespmem:s31+$0xFFFFFFF0];
	v5 =	vshll.u32 v0, $0x3  }
0x9d: {  	v7 =	vshll.u32 v1, $0x3  }
0x9e: {  	v2 =	vshll.u32 v2, $0x3  }
0x9f: {  	v0 =	vor.u32 $0x1, v5  }
0xa0: {  	v1 =	vor.u32 $0x1, v7  }
0xa1: {  	v3 =	vshll.u32 v3, $0x3;
	v4 =	vor.u32 $0x2, v2;
	v8 =	vld.idx.msk [tilespmem:v5+s3+$0x0], $0xffff  }
0xa2: {  	v6 =	vor.u32 $0x2, v3;
	v19 =	vld.idx.msk [tilespmem:v7+s3+$0x0], $0xffff  }
0xa3: {  	v9 =	vor.u32 $0x4, v2;
	v30 =	vld.idx.msk [tilespmem:v2+s3+$0x0], $0xffff  }
0xa4: {  	v10 =	vor.u32 $0x1, v3;
	v11 =	vld.idx.msk [tilespmem:v0+s3+$0x0], $0xffff  }
0xa5: {  	v13 =	vor.u32 $0x2, v7;
	v12 =	vld.idx.msk [tilespmem:v1+s3+$0x0], $0xffff  }
0xa6: {  	v16 =	vor.u32 $0x3, v7;
	v14 =	vld.idx.msk [tilespmem:v4+s3+$0x0], $0xffff  }
0xa7: {  	v17 =	vor.u32 $0x2, v5;
	v15 =	vld.idx.msk [tilespmem:v6+s3+$0x0], $0xffff  }
0xa8: {  	v0 =	vor.u32 $0x5, v2;
	v9 =	vld.idx.msk [tilespmem:v9+s3+$0x0], $0xffff  }
0xa9: {  	v21 =	vor.u32 $0x6, v5;
	v10 =	vld.idx.msk [tilespmem:v10+s3+$0x0], $0xffff  }
0xaa: {  	v1 =	vor.u32 $0x3, v3;
	v22 =	vld.idx.msk [tilespmem:v13+s3+$0x0], $0xffff  }
0xab: {  	v4 =	vor.u32 $0x6, v2;
	v27 =	vld.idx.msk [tilespmem:v16+s3+$0x0], $0xffff  }
0xac: {  	v6 =	vor.u32 $0x5, v5;
	v31 =	vld.idx.msk [tilespmem:v17+s3+$0x0], $0xffff  }
0xad: {  	v18 =	vld.idx.msk [tilespmem:v0+s3+$0x0], $0xffff;
	v0 =	vor.u32 $0x1, v2  }
0xae: {  	v13 =	vor.u32 $0x4, v5;
	v33 =	vld.idx.msk [tilespmem:v21+s3+$0x0], $0xffff  }
0xaf: {  	v20 =	vld.idx.msk [tilespmem:v1+s3+$0x0], $0xffff  }
0xb0: {  	v25 =	vor.u32 $0x4, v7;
	v26 =	vld.idx.msk [tilespmem:v4+s3+$0x0], $0xffff  }
0xb1: {  	v28 =	vor.u32 $0x3, v5;
	v29 =	vor.u32 $0x3, v2;
	v23 =	vld.idx.msk [tilespmem:v6+s3+$0x0], $0xffff  }
0xb2: {  	v32 =	vor.u32 $0x4, v3;
	v35 =	vor.u32 $0x7, v7;
	v21 =	vor.u32 $0x7, v3;
	v24 =	vld.idx.msk [tilespmem:v0+s3+$0x0], $0xffff  }
0xb3: {  	v1 =	vor.u32 $0x5, v7;
	v4 =	vor.u32 $0x6, v3;
	v12 =	vmul.bf16 v10, v12;
	v34 =	vld.idx.msk [tilespmem:v13+s3+$0x0], $0xffff  }
0xb4: {  	v6 =	vor.u32 $0x6, v7;
	v10 =	vor.u32 $0x7, v2;
	v0 =	vor.u32 $0x5, v3;
	v3 =	vld.idx.msk [tilespmem:v3+s3+$0x0], $0xffff  }
0xb5: {  	v2 =	vunpack.i.u.bf16.f32 v12;
	v7 =	vunpack.i.l.bf16.f32 v12;
	v12 =	vld.idx.msk [tilespmem:v25+s3+$0x0], $0xffff;
	v25 =	vmul.bf16 v14, v31  }
0xb6: {  	v16 =	vor.u32 $0x7, v5;
	v13 =	vld.idx.msk [tilespmem:v29+s3+$0x0], $0xffff;
	v29 =	vmul.bf16 v30, v8;
	v20 =	vmul.bf16 v20, v27  }
0xb7: {  	v14 =	vunpack.i.l.bf16.f32 v25;
	v18 =	vmul.bf16 v18, v23;
	v5 =	vmul.bf16 v24, v11;
	v24 =	vld.idx.msk [tilespmem:v28+s3+$0x0], $0xffff  }
0xb8: {  	v9 =	vmul.bf16 v9, v34;
	v26 =	vmul.bf16 v26, v33;
	v8 =	vunpack.i.u.bf16.f32 v20  }
0xb9: {  	v21 =	vld.idx.msk [tilespmem:v21+s3+$0x0], $0xffff;
	v11 =	vmul.bf16 v15, v22;
	v22 =	vunpack.i.l.bf16.f32 v29;
	v27 =	vmul.bf16 v3, v19  }
0xba: {  	s25 =	simm.s32 $0x168B0;
	s21 =	sadd.s32 $0x1, s21;
	v23 =	vld.idx.msk [tilespmem:v35+s3+$0x0], $0xffff;
	v28 =	vunpack.i.u.bf16.f32 v29;
	v3 =	vunpack.i.u.bf16.f32 v18;
	v17 =	vunpack.i.u.bf16.f32 v5  }
0xbb: {  	s23 =	simm.s32 $0x18890;
	s24 =	simm.s32 $0x0;
	s22 =	simm.s32 $0x18890;
	v19 =	vld.idx.msk [tilespmem:v32+s3+$0x0], $0xffff;
	v15 =	vunpack.i.l.bf16.f32 v5;
	v5 =	vunpack.i.u.bf16.f32 v11;
	v11 =	vunpack.i.l.bf16.f32 v11  }
.LBB2_5:
0xbc: {  	v29 =	vld [tilespmem:s25+$0xFFFFF000];
	s24 =	sadd.s32 $0x2, s24;
	v30 =	vunpack.i.l.bf16.f32 v27;
	v25 =	vunpack.i.u.bf16.f32 v25;
	v24 =	vmul.bf16 v13, v24;
	s23 =	sadd.s32 $0x20, s23  }
0xbd: {  	v27 =	vunpack.i.u.bf16.f32 v27;
	v28 =	vadd.f32 $0.0e+00, v28;
	v31 =	vld [tilespmem:s25+$0xFFFFEFF0];
	p0 =	slt.u32 s24, $0xFE;
	v13 =	vunpack.i.u.bf16.f32 v26  }
0xbe: {  	v30 =	vadd.f32 $0.0e+00, v30;
	v34 =	vunpack.i.u.bf16.f32 v9;
	v32 =	vld [tilespmem:s25+$0xFFFFFFF0];
	v33 =	vunpack.i.l.bf16.f32 v24  }
0xbf: {  	v22 =	vadd.f32 $0.0e+00, v22;
	v26 =	vunpack.i.l.bf16.f32 v26;
	v17 =	vadd.f32 v17, v28;
	v35 =	vld [tilespmem:s25+$0x0]  }
0xc0: {  	v20 =	vunpack.i.l.bf16.f32 v20;
	v21 =	vmul.bf16 v21, v23;
	v23 =	vunpack.i.u.bf16.f32 v24;
	v16 =	vld.idx.msk [tilespmem:v16+s3+$0x0], $0xffff  }
0xc1: {  	v18 =	vunpack.i.l.bf16.f32 v18;
	v17 =	vadd.f32 v25, v17;
	v24 =	vshll.u32 v29, $0x3;
	v10 =	vld.idx.msk [tilespmem:v10+s3+$0x0], $0xffff  }
0xc2: {  	v27 =	vadd.f32 $0.0e+00, v27;
	v25 =	vshll.u32 v31, $0x3;
	v28 =	vor.u32 $0x1, v24;
	v6 =	vld.idx.msk [tilespmem:v6+s3+$0x0], $0xffff  }
0xc3: {  	v29 =	vshll.u32 v32, $0x3;
	v31 =	vor.u32 $0x1, v25;
	v4 =	vld.idx.msk [tilespmem:v4+s3+$0x0], $0xffff;
	v32 =	vunpack.i.u.bf16.f32 v21  }
0xc4: {  	v21 =	vunpack.i.l.bf16.f32 v21;
	v36 =	vor.u32 $0x1, v29;
	v35 =	vshll.u32 v35, $0x3;
	v1 =	vld.idx.msk [tilespmem:v1+s3+$0x0], $0xffff  }
0xc5: {  	v12 =	vmul.bf16 v19, v12;
	v37 =	vor.u32 $0x1, v35;
	v38 =	vor.u32 $0x2, v35;
	v0 =	vld.idx.msk [tilespmem:v0+s3+$0x0], $0xffff  }
0xc6: {  	v15 =	vadd.f32 v15, v22;
	v19 =	vor.u32 $0x2, v29;
	v40 =	vor.u32 $0x4, v35;
	v39 =	vld.idx.msk [tilespmem:v24+s3+$0x0], $0xffff  }
0xc7: {  	v7 =	vadd.f32 v7, v30;
	v22 =	vor.u32 $0x2, v24;
	v42 =	vor.u32 $0x3, v24;
	v41 =	vld.idx.msk [tilespmem:v25+s3+$0x0], $0xffff  }
0xc8: {  	v30 =	vor.u32 $0x4, v24;
	v44 =	vunpack.i.l.bf16.f32 v12;
	v43 =	vor.u32 $0x5, v35;
	v28 =	vld.idx.msk [tilespmem:v28+s3+$0x0], $0xffff  }
0xc9: {  	v7 =	vadd.f32 v11, v7;
	v11 =	vadd.f32 v14, v15;
	v45 =	vor.u32 $0x2, v25;
	v31 =	vld.idx.msk [tilespmem:v31+s3+$0x0], $0xffff  }
0xca: {  	v2 =	vadd.f32 v2, v27;
	v14 =	vor.u32 $0x3, v25;
	v15 =	vor.u32 $0x3, v29;
	v38 =	vld.idx.msk [tilespmem:v38+s3+$0x0], $0xffff  }
0xcb: {  	v27 =	vor.u32 $0x5, v24;
	v46 =	vor.u32 $0x6, v35;
	v47 =	vmul.bf16 v10, v16;
	v19 =	vld.idx.msk [tilespmem:v19+s3+$0x0], $0xffff  }
0xcc: {  	v2 =	vadd.f32 v5, v2;
	v48 =	vor.u32 $0x4, v25;
	v49 =	vor.u32 $0x3, v35;
	v40 =	vld.idx.msk [tilespmem:v40+s3+$0x0], $0xffff  }
0xcd: {  	v5 =	vor.u32 $0x6, v24;
	v10 =	vmul.bf16 v4, v6;
	v4 =	vadd.f32 v33, v11;
	v43 =	vld.idx.msk [tilespmem:v43+s3+$0x0], $0xffff  }
0xce: {  	v2 =	vadd.f32 v8, v2;
	v6 =	vadd.f32 v20, v7;
	v7 =	vunpack.i.l.bf16.f32 v9;
	v11 =	vld.idx.msk [tilespmem:v36+s3+$0x0], $0xffff  }
0xcf: {  	v9 =	vunpack.i.u.bf16.f32 v12;
	v1 =	vmul.bf16 v0, v1;
	v4 =	vadd.f32 v7, v4;
	v8 =	vld.idx.msk [tilespmem:v15+s3+$0x0], $0xffff  }
0xd0: {  	v2 =	vadd.f32 v9, v2;
	v0 =	vor.u32 $0x5, v29;
	v7 =	vadd.f32 v23, v17;
	v33 =	vld.idx.msk [tilespmem:v46+s3+$0x0], $0xffff  }
0xd1: {  	v12 =	vunpack.i.u.bf16.f32 v1;
	v16 =	vadd.f32 v18, v4;
	v15 =	vunpack.i.l.bf16.f32 v1;
	v9 =	vld.idx.msk [tilespmem:v27+s3+$0x0], $0xffff  }
0xd2: {  	v4 =	vor.u32 $0x6, v29;
	v7 =	vadd.f32 v34, v7;
	v1 =	vor.u32 $0x5, v25;
	v18 =	vld.idx.msk [tilespmem:v45+s3+$0x0], $0xffff  }
0xd3: {  	v20 =	vadd.f32 v44, v6;
	v23 =	vunpack.i.l.bf16.f32 v10;
	v26 =	vadd.f32 v26, v16;
	v17 =	vld.idx.msk [tilespmem:v37+s3+$0x0], $0xffff  }
0xd4: {  	v6 =	vor.u32 $0x6, v25;
	v3 =	vadd.f32 v3, v7;
	v27 =	vunpack.i.u.bf16.f32 v10;
	v14 =	vld.idx.msk [tilespmem:v14+s3+$0x0], $0xffff  }
0xd5: {  	v34 =	vor.u32 $0x4, v29;
	v2 =	vadd.f32 v12, v2;
	v36 =	vld.idx.msk [tilespmem:v5+s3+$0x0], $0xffff;
	v5 =	vadd.f32 v15, v20  }
0xd6: {  	v10 =	vor.u32 $0x7, v35;
	v7 =	vmul.bf16 v11, v31;
	v15 =	vunpack.i.l.bf16.f32 v47;
	v11 =	vld.idx.msk [tilespmem:v35+s3+$0x0], $0xffff  }
0xd7: {  	v16 =	vor.u32 $0x7, v24;
	v12 =	vadd.f32 v27, v2;
	v20 =	vld.idx.msk [tilespmem:v22+s3+$0x0], $0xffff;
	v5 =	vadd.f32 v23, v5  }
0xd8: {  	v3 =	vadd.f32 v13, v3;
	v2 =	vunpack.i.u.bf16.f32 v7;
	v22 =	vunpack.i.u.bf16.f32 v47;
	v30 =	vld.idx.msk [tilespmem:v30+s3+$0x0], $0xffff  }
0xd9: {  	v27 =	vadd.f32 v32, v12;
	v7 =	vunpack.i.l.bf16.f32 v7;
	v24 =	vmul.bf16 v17, v28;
	v23 =	vld.idx.msk [tilespmem:v29+s3+$0x0], $0xffff  }
0xda: {  	v28 =	vor.u32 $0x7, v25;
	v29 =	vor.u32 $0x7, v29;
	v5 =	vadd.f32 v21, v5;
	v13 =	vld.idx.msk [tilespmem:v49+s3+$0x0], $0xffff  }
0xdb: {  	v3 =	vadd.f32 v22, v3;
	v21 =	vadd.f32 v15, v26;
	v17 =	vunpack.i.u.bf16.f32 v24;
	v12 =	vld.idx.msk [tilespmem:v48+s3+$0x0], $0xffff  }
0xdc: {  	v18 =	vmul.bf16 v19, v18;
	v15 =	vunpack.i.l.bf16.f32 v24;
	v19 =	vmul.bf16 v11, v39;
	v24 =	vld.idx.msk [tilespmem:v42+s3+$0x0], $0xffff  }
.Ltmp1:
0xdd: {  	v26 =	vadd.f32 v5, v27;
	v3 =	vadd.f32 v21, v3;
	v25 =	vmul.bf16 v38, v20;
	(pc) =	sbr.rel @p0 .LBB2_5-.Ltmp1, $4  }
0xde: {  	v5 =	vunpack.i.u.bf16.f32 v18;
	v20 =	vmul.bf16 v8, v14;
	v22 =	vunpack.i.l.bf16.f32 v19  }
0xdf: {  	v11 =	vunpack.i.l.bf16.f32 v18;
	v18 =	vmul.bf16 v43, v9;
	v14 =	vunpack.i.l.bf16.f32 v25;
	v21 =	vld.idx.msk [tilespmem:v29+s3+$0x0], $0xffff;
	[tilespmem:s22+$0x0] =	vst v3  }
0xe0: {  	v27 =	vmul.bf16 v23, v41;
	v8 =	vunpack.i.u.bf16.f32 v20;
	v23 =	vld.idx.msk [tilespmem:v28+s3+$0x0], $0xffff;
	v28 =	vunpack.i.u.bf16.f32 v19;
	[tilespmem:s22+$0xFFFFFFF0] =	vst v26;
	s22 =	smov.u32 s23  }
0xe1: {  	s25 =	sadd.s32 $0x20, s25;
	v9 =	vmul.bf16 v40, v30;
	v3 =	vunpack.i.u.bf16.f32 v18;
	v26 =	vmul.bf16 v33, v36;
	v19 =	vld.idx.msk [tilespmem:v34+s3+$0x0], $0xffff  }
0xe2: {  	_ =	sdelay $0x3  }
0xe3: {  	v16 =	vld.idx.msk [tilespmem:v16+s3+$0x0], $0xffff  }
0xe4: {  	v29 =	vunpack.i.l.bf16.f32 v27;
	v25 =	vunpack.i.u.bf16.f32 v25;
	v13 =	vmul.bf16 v13, v24;
	v10 =	vld.idx.msk [tilespmem:v10+s3+$0x0], $0xffff  }
0xe5: {  	v47 =	vunpack.i.u.bf16.f32 v27;
	v48 =	vadd.f32 $0.0e+00, v28;
	v22 =	vadd.f32 $0.0e+00, v22;
	v6 =	vld.idx.msk [tilespmem:v6+s3+$0x0], $0xffff  }
0xe6: {  	v20 =	vunpack.i.l.bf16.f32 v20;
	v4 =	vld.idx.msk [tilespmem:v4+s3+$0x0], $0xffff;
	v52 =	vunpack.i.l.bf16.f32 v18;
	v49 =	vunpack.i.u.bf16.f32 v26  }
0xe7: {  	v1 =	vld.idx.msk [tilespmem:v1+s3+$0x0], $0xffff;
	v29 =	vadd.f32 $0.0e+00, v29;
	v31 =	vunpack.i.u.bf16.f32 v9;
	v50 =	vunpack.i.l.bf16.f32 v26  }
0xe8: {  	v0 =	vld.idx.msk [tilespmem:v0+s3+$0x0], $0xffff;
	v51 =	vadd.f32 $0.0e+00, v47;
	v55 =	vunpack.i.l.bf16.f32 v9;
	v30 =	vunpack.i.l.bf16.f32 v13  }
0xe9: {  	v17 =	vadd.f32 v17, v48;
	v15 =	vadd.f32 v15, v22;
	v13 =	vunpack.i.u.bf16.f32 v13  }
0xea: {  	v21 =	vmul.bf16 v21, v23;
	v7 =	vadd.f32 v7, v29;
	v2 =	vadd.f32 v2, v51  }
0xeb: {  	v17 =	vadd.f32 v25, v17;
	v12 =	vmul.bf16 v19, v12;
	v14 =	vadd.f32 v14, v15  }
0xec: {  	v53 =	vunpack.i.u.bf16.f32 v21;
	v7 =	vadd.f32 v11, v7;
	v10 =	vmul.bf16 v10, v16  }
0xed: {  	v2 =	vadd.f32 v5, v2;
	v4 =	vmul.bf16 v4, v6;
	v0 =	vmul.bf16 v0, v1  }
0xee: {  	v19 =	vunpack.i.l.bf16.f32 v12;
	v54 =	vadd.f32 v30, v14;
	v56 =	vadd.f32 v13, v17  }
0xef: {  	v57 =	vunpack.i.u.bf16.f32 v12;
	v7 =	vadd.f32 v20, v7;
	v2 =	vadd.f32 v8, v2  }
0xf0: {  	v58 =	vunpack.i.u.bf16.f32 v0;
	v5 =	vadd.f32 v55, v54;
	v6 =	vadd.f32 v31, v56  }
0xf1: {  	v0 =	vunpack.i.l.bf16.f32 v0;
	v1 =	vadd.f32 v57, v2;
	v7 =	vadd.f32 v19, v7  }
0xf2: {  	v59 =	vunpack.i.l.bf16.f32 v4;
	v5 =	vadd.f32 v52, v5;
	v3 =	vadd.f32 v3, v6  }
0xf3: {  	v60 =	vunpack.i.u.bf16.f32 v4;
	v0 =	vadd.f32 v0, v7;
	v1 =	vadd.f32 v58, v1  }
0xf4: {  	v61 =	vunpack.i.l.bf16.f32 v10;
	v5 =	vadd.f32 v50, v5;
	v3 =	vadd.f32 v49, v3  }
0xf5: {  	v62 =	vunpack.i.u.bf16.f32 v10;
	v0 =	vadd.f32 v59, v0;
	v1 =	vadd.f32 v60, v1  }
0xf6: {  	v63 =	vunpack.i.l.bf16.f32 v21;
	v4 =	vadd.f32 v61, v5;
	v2 =	vadd.f32 v62, v3  }
0xf7: {  	v1 =	vadd.f32 v53, v1;
	v0 =	vadd.f32 v63, v0  }
0xf8: {  	p0 =	sne.s32 s21, $0xA;
	v2 =	vadd.f32 v4, v2  }
.Ltmp2:
0xf9: {  	s20 =	sshll.u32 s20, $0xC;
	v0 =	vadd.f32 v0, v1;
	(pc) =	sbr.rel @p0 .LBB2_2-.Ltmp2, $4  }
0xfa: {  	s20 =	sadd.s32 s20, s8;
	[tilespmem:s22+$0x0] =	vst v2  }
0xfb: {  	s20 =	sshrl.u32 s20, $0x3;
	[tilespmem:s22+$0xFFFFFFF0] =	vst v0  }
0xfc: {  	s20 =	sadd.s32 s5, s20;
	_ =	strace $0x9000004E  }
0xfd: {  	[hbm4b:s20+s3] =	stream.linear.scatter [tilespmem:s17], [sflag:$0x3], $0x1000, $0x38;
	[tilespmem:$0x19880] =	vst v63  }
0xfe: {  	_ =	strace $0x8000004F  }
0xff: {  	s19 =	sadd.s32 $0x1, s19;
	_ =	swait.ge [sflag:s18], $0x1000  }
0x100: {  	p0 =	sne.s32 s19, s10;
	[sflag:s18] =	ssyncset.done $0x0  }
.Ltmp3:
0x101: {  	[sflag:s18] =	ssyncadd.s32 $0xFFFFF000;
	(pc) =	sbr.rel @p0 .LBB2_1-.Ltmp3, $4  }
0x102: {  	_ =	swait.ge [sflag:s18], $0x1000  }
0x103: {  	[sflag:s18] =	ssyncset.done $0x0  }
0x104: {  	[sflag:s18] =	ssyncadd.s32 $0xFFFFF000  }
0x105: {  	_ =	strace $0x9000004F  }
0x106: {  	_ =	sfence.sel $0x180000  }
0x107: {  	[bflag:$0x0] =	sbarrier.arrive $0xFFFF  }
0x108: {  	p0 =	sne.s32 s1, $0x0;
	_ =	strace $0x90000047  }
0x109: {  	s0 =	sadd.s32 @!p0 $0x100000, s0;
	[bflag:$0x2] =	sbarrier.arrive $0xFFFF  }
0x10a: {  	[sflag:s0] =	ssyncadd.tile.s32 @!p0 $0x1;
	_ =	shalt  }
.Lfunc_end2:
_tile_overlayer_lowered:
.L_overlay_start_2:
0x10b: {  	(tag) =	ssettag $0x2  }
0x10c: {  	s0 =	rddreg [dreg:$0x0];
	s2 =	stileid.u32  }
0x10d: {  	s1 =	rddreg [dreg:$0x1];
	p0 =	sne.s32 s2, $0x0  }
0x10e: {  	s3 =	rddreg [dreg:$0x2];
	[bflag:$0x3] =	sbarrier.arrive $0xFFFF;
	s2 =	simm.s32 @!p0 $0x1C04  }
0x10f: {  	[timem:s3], [sflag:s2] =	dma.local @!p0 [hbm:s0], s1  }
0x110: {  	s0 =	simm.s32 @!p0 $0x4  }
0x111: {  	_ =	swait.ge @!p0 [sflag:s0], s1  }
0x112: {  	s1 =	ssub.s32 @!p0 $0x0, s1;
	[sflag:s0] =	ssyncset.done @!p0 $0x0  }
0x113: {  	[sflag:s0] =	ssyncadd.s32 @!p0 s1  }
0x114: {  	[bflag:$0x3] =	sbarrier.arrive $0xFFFF  }
0x115: {  	_ =	shalt  }

</sc_bundles>
